<compile_context>
chip_gen: v7x
topology: tpu7x:2x2x1
jax: 0.10.2.dev20260603
libtpu: 0.0.44.dev20260713+nightly
codegen_flags: <defaults>
</compile_context>

<pallas_src>
import functools

import jax
import jax.numpy as jnp
from jax import lax
from jax.experimental import pallas as pl
from jax.experimental.pallas import tpu as pltpu
from jax.experimental.pallas import tpu_sc as plsc

N_NODES = 10000
NPAD = 10240
IN_DIM = 128
HID = 128
MLP_HID = 256
OUT_DIM = 64
N_EDGES = 320000
CHUNK = 128
NC = 2
NS = 16
NW = NC * NS
CPW = 80
IBLK = 40
NCHUNKS = NW * CPW
EPAD = NCHUNKS * CHUNK
RPT = NPAD // NS
DEGW = 16


def _sc_mesh():
    return plsc.VectorSubcoreMesh(
        core_axis_name="c", subcore_axis_name="s",
        num_cores=NC, num_subcores=NS)


@functools.cache
def _build_sc_degree():
  @functools.partial(
      pl.kernel,
      out_type=jax.ShapeDtypeStruct((NC * NPAD, DEGW), jnp.float32),
      mesh=_sc_mesh(),
      scratch_types=[
          pltpu.VMEM((CPW, CHUNK), jnp.int32),
          pltpu.VMEM((CHUNK, DEGW), jnp.float32),
          pltpu.VMEM_SHARED((NPAD, DEGW), jnp.float32),
      ],
  )
  def _sc_degree(dst_hbm, zdeg_hbm, out_hbm, idx_v, ones_v, acc_sh):
      c = lax.axis_index("c")
      s = lax.axis_index("s")
      wid = s * NC + c
      pltpu.sync_copy(zdeg_hbm.at[pl.ds(s * RPT, RPT)],
                      acc_sh.at[pl.ds(s * RPT, RPT)])
      def _fill(i, carry):
          ones_v[i] = jnp.ones((DEGW,), jnp.float32)
          return carry
      lax.fori_loop(0, CHUNK, _fill, 0)
      pltpu.sync_copy(dst_hbm.at[pl.ds(wid * CPW, CPW)], idx_v)
      plsc.subcore_barrier()

      def _body(j, carry):
          pltpu.sync_copy(ones_v, acc_sh.at[idx_v.at[j]], add=True)
          return carry
      lax.fori_loop(0, CPW, _body, 0)

      plsc.subcore_barrier()
      pltpu.sync_copy(acc_sh.at[pl.ds(s * RPT, RPT)],
                      out_hbm.at[pl.ds(c * NPAD + s * RPT, RPT)])
  return _sc_degree


@functools.cache
def _build_sc_aggregate():
  @functools.partial(
      pl.kernel,
      out_type=jax.ShapeDtypeStruct((NC * NPAD, HID), jnp.float32),
      mesh=_sc_mesh(),
      scratch_types=[
          pltpu.VMEM((IBLK, CHUNK), jnp.int32),
          pltpu.VMEM((IBLK, CHUNK), jnp.int32),
          pltpu.VMEM((CHUNK, HID), jnp.float32),
          pltpu.VMEM((CHUNK, HID), jnp.float32),
          pltpu.VMEM_SHARED((NPAD, HID), jnp.float32),
          pltpu.SemaphoreType.DMA,
          pltpu.SemaphoreType.DMA,
      ],
  )
  def _sc_aggregate(g_hbm, src_hbm, dst_hbm, zero_hbm, out_hbm,
                    src_v, dst_v, rows_a, rows_b, acc_sh, sem_a, sem_b):
      c = lax.axis_index("c")
      s = lax.axis_index("s")
      wid = s * NC + c
      pltpu.sync_copy(zero_hbm.at[pl.ds(s * RPT, RPT)],
                      acc_sh.at[pl.ds(s * RPT, RPT)])
      plsc.subcore_barrier()

      for ib in range(CPW // IBLK):
          base = wid * CPW + ib * IBLK
          pltpu.sync_copy(src_hbm.at[pl.ds(base, IBLK)], src_v)
          pltpu.sync_copy(dst_hbm.at[pl.ds(base, IBLK)], dst_v)
          pltpu.async_copy(g_hbm.at[src_v.at[0]], rows_a, sem_a)

          def _body(j2, carry):
              j = 2 * j2
              pltpu.async_copy(g_hbm.at[src_v.at[j + 1]], rows_b, sem_b)
              pltpu.make_async_copy(g_hbm.at[src_v.at[j]], rows_a,
                                    sem_a).wait()
              pltpu.sync_copy(rows_a, acc_sh.at[dst_v.at[j]], add=True)

              @pl.when(j2 + 1 < IBLK // 2)
              def _():
                  pltpu.async_copy(g_hbm.at[src_v.at[j + 2]], rows_a, sem_a)
              pltpu.make_async_copy(g_hbm.at[src_v.at[j + 1]], rows_b,
                                    sem_b).wait()
              pltpu.sync_copy(rows_b, acc_sh.at[dst_v.at[j + 1]], add=True)
              return carry
          lax.fori_loop(0, IBLK // 2, _body, 0)

      plsc.subcore_barrier()
      pltpu.sync_copy(acc_sh.at[pl.ds(s * RPT, RPT)],
                      out_hbm.at[pl.ds(c * NPAD + s * RPT, RPT)])
  return _sc_aggregate



BLK = 512
GRID = NPAD // BLK


def _dinv_blk(dg0, dg1):
    deg = dg0[:, 0:1] + dg1[:, 0:1] + 1.0
    return lax.rsqrt(deg)


def _tc_g1_body(x_ref, w1_ref, dg0_ref, dg1_ref, g1_ref):
    dinv = _dinv_blk(dg0_ref, dg1_ref)
    g1_ref[...] = jnp.dot(x_ref[...], w1_ref[...],
                          preferred_element_type=jnp.float32) * dinv


def _tc_mid_body(p0_ref, p1_ref, g1_ref, dg0_ref, dg1_ref, b1_ref, w2_ref,
                 g2_ref):
    dinv = _dinv_blk(dg0_ref, dg1_ref)
    h1 = jnp.maximum(
        dinv * (p0_ref[...] + p1_ref[...] + g1_ref[...]) + b1_ref[...], 0.0)
    g2_ref[...] = jnp.dot(h1, w2_ref[...],
                          preferred_element_type=jnp.float32) * dinv


def _tc_final_body(p0_ref, p1_ref, g2_ref, dg0_ref, dg1_ref, b2_ref,
                   wf1_ref, bf1_ref, wf2_ref, bf2_ref, wf3_ref, bf3_ref,
                   out_ref):
    dinv = _dinv_blk(dg0_ref, dg1_ref)
    h2 = jnp.maximum(
        dinv * (p0_ref[...] + p1_ref[...] + g2_ref[...]) + b2_ref[...], 0.0)
    o = jnp.maximum(jnp.dot(h2, wf1_ref[...],
                            preferred_element_type=jnp.float32)
                    + bf1_ref[...], 0.0)
    o = jnp.maximum(jnp.dot(o, wf2_ref[...],
                            preferred_element_type=jnp.float32)
                    + bf2_ref[...], 0.0)
    out_ref[...] = jnp.maximum(jnp.dot(o, wf3_ref[...],
                                       preferred_element_type=jnp.float32)
                               + bf3_ref[...], 0.0)


def _rows(bd):
    return pl.BlockSpec((BLK, bd), lambda i: (i, 0))


def _full(shape):
    return pl.BlockSpec(shape, lambda i: (0,) * len(shape))


def _tc_g1(x, w1, dg0, dg1):
    return pl.pallas_call(
        _tc_g1_body,
        grid=(GRID,),
        in_specs=[_rows(IN_DIM), _full((IN_DIM, HID)), _rows(DEGW),
                  _rows(DEGW)],
        out_specs=_rows(HID),
        out_shape=jax.ShapeDtypeStruct((NPAD, HID), jnp.float32),
    )(x, w1, dg0, dg1)


def _tc_mid(p0, p1, g1, dg0, dg1, b1, w2):
    return pl.pallas_call(
        _tc_mid_body,
        grid=(GRID,),
        in_specs=[_rows(HID), _rows(HID), _rows(HID), _rows(DEGW),
                  _rows(DEGW), _full((1, HID)), _full((HID, HID))],
        out_specs=_rows(HID),
        out_shape=jax.ShapeDtypeStruct((NPAD, HID), jnp.float32),
    )(p0, p1, g1, dg0, dg1, b1, w2)


def _tc_final(p0, p1, g2, dg0, dg1, b2, wf1, bf1, wf2, bf2, wf3, bf3):
    return pl.pallas_call(
        _tc_final_body,
        grid=(GRID,),
        in_specs=[_rows(HID), _rows(HID), _rows(HID), _rows(DEGW),
                  _rows(DEGW), _full((1, HID)),
                  _full((HID, MLP_HID)), _full((1, MLP_HID)),
                  _full((MLP_HID, MLP_HID)), _full((1, MLP_HID)),
                  _full((MLP_HID, OUT_DIM)), _full((1, OUT_DIM))],
        out_specs=_rows(OUT_DIM),
        out_shape=jax.ShapeDtypeStruct((NPAD, OUT_DIM), jnp.float32),
    )(p0, p1, g2, dg0, dg1, b2, wf1, bf1, wf2, bf2, wf3, bf3)



def kernel(x, edge_index, W1, b1, W2, b2, Wf1, bf1, Wf2, bf2, Wf3, bf3):
    f32 = jnp.float32
    ei = edge_index.astype(jnp.int32)
    pad = N_NODES + (jnp.arange(EPAD - N_EDGES, dtype=jnp.int32) % 16)
    src = jnp.concatenate([ei[0], pad]).reshape(NCHUNKS, CHUNK)
    dst = jnp.concatenate([ei[1], pad]).reshape(NCHUNKS, CHUNK)

    xp = jnp.pad(x, ((0, NPAD - N_NODES), (0, 0)))
    zeros_big = jnp.zeros((NPAD, HID), f32)
    zeros_deg = jnp.zeros((NPAD, DEGW), f32)

    sc_degree = _build_sc_degree()
    sc_aggregate = _build_sc_aggregate()

    degp = sc_degree(dst, zeros_deg)
    dg0, dg1 = degp[:NPAD], degp[NPAD:]

    g1 = _tc_g1(xp, W1, dg0, dg1)
    aggp1 = sc_aggregate(g1, src, dst, zeros_big)
    g2 = _tc_mid(aggp1[:NPAD], aggp1[NPAD:], g1, dg0, dg1,
                 b1.reshape(1, HID), W2)
    aggp2 = sc_aggregate(g2, src, dst, zeros_big)
    out = _tc_final(aggp2[:NPAD], aggp2[NPAD:], g2, dg0, dg1,
                    b2.reshape(1, HID), Wf1, bf1.reshape(1, MLP_HID),
                    Wf2, bf2.reshape(1, MLP_HID), Wf3,
                    bf3.reshape(1, OUT_DIM))
    return out[:N_NODES]

# --- scband reference (transcript-rebuilt; emitter-appended) ---
"""Pipeline reference for scband-gene-program-model-gcn-nonneg-22651657519233 (READ-ONLY COPY).

The authoritative reference and input builder live on the scoring server;
editing this copy changes nothing except your own understanding.
"""

import jax, jax.numpy as jnp
import numpy as np

N_NODES = 10000
IN_DIM = 128
HID = 128
MLP_HID = 256
OUT_DIM = 64
N_EDGES = 320000


def gcn_conv(x, edge_index, W, b):
    n = x.shape[0]
    h = x @ W
    src = edge_index[0]
    dst = edge_index[1]
    loop = jnp.arange(n, dtype=src.dtype)
    src = jnp.concatenate([src, loop])
    dst = jnp.concatenate([dst, loop])
    deg = jnp.zeros((n,), dtype=h.dtype).at[dst].add(1.0)
    dinv = jnp.where(deg > 0, deg ** -0.5, 0.0)
    norm = dinv[src] * dinv[dst]
    msg = h[src] * norm[:, None]
    out = jnp.zeros_like(h).at[dst].add(msg)
    return out + b


def setup_inputs(seed: int = 0) -> dict:
    key = jax.random.key(seed)
    ks = jax.random.split(key, 12)
    x = jax.random.normal(ks[0], (N_NODES, IN_DIM), dtype=jnp.float32)
    edge_index = jax.random.randint(ks[1], (2, N_EDGES), 0, N_NODES, dtype=jnp.int64)

    def glorot(k, shape):
        lim = float(np.sqrt(6.0 / (shape[0] + shape[1])))
        return jax.random.uniform(k, shape, dtype=jnp.float32, minval=-lim, maxval=lim)

    return {
        "x": x,
        "edge_index": edge_index,
        "W1": glorot(ks[2], (IN_DIM, HID)),
        "b1": jnp.zeros((HID,), dtype=jnp.float32),
        "W2": glorot(ks[3], (HID, HID)),
        "b2": jnp.zeros((HID,), dtype=jnp.float32),
        "Wf1": glorot(ks[4], (HID, MLP_HID)),
        "bf1": jnp.zeros((MLP_HID,), dtype=jnp.float32),
        "Wf2": glorot(ks[5], (MLP_HID, MLP_HID)),
        "bf2": jnp.zeros((MLP_HID,), dtype=jnp.float32),
        "Wf3": glorot(ks[6], (MLP_HID, OUT_DIM)),
        "bf3": jnp.zeros((OUT_DIM,), dtype=jnp.float32),
    }


def reference(x, edge_index, W1, b1, W2, b2, Wf1, bf1, Wf2, bf2, Wf3, bf3):
    h = jax.nn.relu(gcn_conv(x, edge_index, W1, b1))
    # dropout is identity in eval mode
    h = jax.nn.relu(gcn_conv(h, edge_index, W2, b2))
    h = jax.nn.relu(h @ Wf1 + bf1)
    h = jax.nn.relu(h @ Wf2 + bf2)
    h = jax.nn.relu(h @ Wf3 + bf3)
    return h

if __name__ == "__main__":
    import jax
    _d = setup_inputs()
    print(jax.jit(kernel)(*tuple(_d.values())))

</pallas_src>

<mosaic_0001>
#map = affine_map<(d0, d1) -> (0, 0)>
module attributes {stable_mosaic.version = 14 : i64} {
  func.func @_sc_aggregate(%arg0: i32, %arg1: i32, %arg2: memref<10240x128xf32, #tpu.memory_space<hbm>>, %arg3: memref<2560x128xi32, #tpu.memory_space<hbm>>, %arg4: memref<2560x128xi32, #tpu.memory_space<hbm>>, %arg5: memref<10240x128xf32, #tpu.memory_space<hbm>>, %arg6: memref<20480x128xf32, #tpu.memory_space<hbm>>, %arg7: memref<40x128xi32, #tpu.memory_space<vmem>>, %arg8: memref<40x128xi32, #tpu.memory_space<vmem>>, %arg9: memref<128x128xf32, #tpu.memory_space<vmem>>, %arg10: memref<128x128xf32, #tpu.memory_space<vmem>>, %arg11: memref<10240x128xf32, #tpu.memory_space<vmem_shared>>, %arg12: memref<!tpu.dma_semaphore, #tpu.memory_space<semaphore_mem>>, %arg13: memref<!tpu.dma_semaphore, #tpu.memory_space<semaphore_mem>>) attributes {dimension_semantics = [#tpu.dimension_semantics<core_parallel>, #tpu.dimension_semantics<subcore_parallel>], iteration_bounds = array<i64: 2, 16>, scalar_prefetch = 0 : i64, scratch_operands = 7 : i64, tpu.core_type = #tpu.core_type<sc_vector_subcore>, window_params = [{transform_indices = #map}, {transform_indices = #map}, {transform_indices = #map}, {transform_indices = #map}, {transform_indices = #map}]} {
    %mul3A = arith.constant 2 : i32
    %mul3A_0 = arith.muli %arg1, %mul3A : i32
    %add3A = arith.addi %mul3A_0, %arg0 : i32
    %mul3A_1 = arith.constant 640 : i32
    %mul3A_2 = arith.muli %arg1, %mul3A_1 : i32
    %mul3A_3 = arith.constant 640 : i32
    %mul3A_4 = arith.muli %arg1, %mul3A_3 : i32
    "tpu.region"() ({
      %run_scoped3A = tpu.sem_alloc : memref<!tpu.dma_semaphore, #tpu.memory_space<semaphore_mem>>
      %dma_start3A_45 = arith.constant 0 : i32
      %dma_start3A_46 = tpu.memref_slice %arg11[%mul3A_4, %dma_start3A_45] : memref<10240x128xf32, #tpu.memory_space<vmem_shared>> -> memref<640x128xf32, #tpu.memory_space<vmem_shared>>
      %dma_start3A_47 = arith.constant 0 : i32
      %dma_start3A_48 = tpu.memref_slice %arg5[%mul3A_2, %dma_start3A_47] : memref<10240x128xf32, #tpu.memory_space<hbm>> -> memref<640x128xf32, #tpu.memory_space<hbm>>
      tpu.enqueue_dma source(%dma_start3A_48 : memref<640x128xf32, #tpu.memory_space<hbm>>) target(%dma_start3A_46 : memref<640x128xf32, #tpu.memory_space<vmem_shared>>) target_semaphore(%run_scoped3A : memref<!tpu.dma_semaphore, #tpu.memory_space<semaphore_mem>>)
      %dma_wait3A = arith.constant 0 : i32
      %dma_wait3A_49 = tpu.memref_slice %arg11[%mul3A_4, %dma_wait3A] : memref<10240x128xf32, #tpu.memory_space<vmem_shared>> -> memref<640x128xf32, #tpu.memory_space<vmem_shared>>
      %dma_wait3A_50 = arith.constant 0 : i32
      %dma_wait3A_51 = tpu.memref_slice %arg5[%mul3A_2, %dma_wait3A_50] : memref<10240x128xf32, #tpu.memory_space<hbm>> -> memref<640x128xf32, #tpu.memory_space<hbm>>
      tpu.wait_dma2 semaphore(%run_scoped3A : memref<!tpu.dma_semaphore, #tpu.memory_space<semaphore_mem>>) src(%dma_wait3A_51 : memref<640x128xf32, #tpu.memory_space<hbm>>) dst(%dma_wait3A_49 : memref<640x128xf32, #tpu.memory_space<vmem_shared>>)
      tpu.yield
    }) : () -> ()
    %barrier3A = arith.constant 0 : index
    tpu.barrier barrier_id(%barrier3A)
    %mul3A_5 = arith.constant 80 : i32
    %mul3A_6 = arith.muli %add3A, %mul3A_5 : i32
    %add3A_7 = arith.constant 0 : i32
    %add3A_8 = arith.addi %mul3A_6, %add3A_7 : i32
    "tpu.region"() ({
      %run_scoped3A = tpu.sem_alloc : memref<!tpu.dma_semaphore, #tpu.memory_space<semaphore_mem>>
      %dma_start3A_45 = arith.constant 0 : i32
      %dma_start3A_46 = tpu.memref_slice %arg3[%add3A_8, %dma_start3A_45] : memref<2560x128xi32, #tpu.memory_space<hbm>> -> memref<40x128xi32, #tpu.memory_space<hbm>>
      %dma_start3A_47 = arith.constant 0 : i32
      %dma_start3A_48 = tpu.memref_slice %arg3[%add3A_8, %dma_start3A_47] : memref<2560x128xi32, #tpu.memory_space<hbm>> -> memref<40x128xi32, #tpu.memory_space<hbm>>
      tpu.enqueue_dma source(%dma_start3A_48 : memref<40x128xi32, #tpu.memory_space<hbm>>) target(%arg7 : memref<40x128xi32, #tpu.memory_space<vmem>>) target_semaphore(%run_scoped3A : memref<!tpu.dma_semaphore, #tpu.memory_space<semaphore_mem>>)
      %dma_wait3A = arith.constant 0 : i32
      %dma_wait3A_49 = tpu.memref_slice %arg3[%add3A_8, %dma_wait3A] : memref<2560x128xi32, #tpu.memory_space<hbm>> -> memref<40x128xi32, #tpu.memory_space<hbm>>
      %dma_wait3A_50 = arith.constant 0 : i32
      %dma_wait3A_51 = tpu.memref_slice %arg3[%add3A_8, %dma_wait3A_50] : memref<2560x128xi32, #tpu.memory_space<hbm>> -> memref<40x128xi32, #tpu.memory_space<hbm>>
      tpu.wait_dma2 semaphore(%run_scoped3A : memref<!tpu.dma_semaphore, #tpu.memory_space<semaphore_mem>>) src(%dma_wait3A_51 : memref<40x128xi32, #tpu.memory_space<hbm>>) dst(%arg7 : memref<40x128xi32, #tpu.memory_space<vmem>>)
      tpu.yield
    }) : () -> ()
    "tpu.region"() ({
      %run_scoped3A = tpu.sem_alloc : memref<!tpu.dma_semaphore, #tpu.memory_space<semaphore_mem>>
      %dma_start3A_45 = arith.constant 0 : i32
      %dma_start3A_46 = tpu.memref_slice %arg4[%add3A_8, %dma_start3A_45] : memref<2560x128xi32, #tpu.memory_space<hbm>> -> memref<40x128xi32, #tpu.memory_space<hbm>>
      %dma_start3A_47 = arith.constant 0 : i32
      %dma_start3A_48 = tpu.memref_slice %arg4[%add3A_8, %dma_start3A_47] : memref<2560x128xi32, #tpu.memory_space<hbm>> -> memref<40x128xi32, #tpu.memory_space<hbm>>
      tpu.enqueue_dma source(%dma_start3A_48 : memref<40x128xi32, #tpu.memory_space<hbm>>) target(%arg8 : memref<40x128xi32, #tpu.memory_space<vmem>>) target_semaphore(%run_scoped3A : memref<!tpu.dma_semaphore, #tpu.memory_space<semaphore_mem>>)
      %dma_wait3A = arith.constant 0 : i32
      %dma_wait3A_49 = tpu.memref_slice %arg4[%add3A_8, %dma_wait3A] : memref<2560x128xi32, #tpu.memory_space<hbm>> -> memref<40x128xi32, #tpu.memory_space<hbm>>
      %dma_wait3A_50 = arith.constant 0 : i32
      %dma_wait3A_51 = tpu.memref_slice %arg4[%add3A_8, %dma_wait3A_50] : memref<2560x128xi32, #tpu.memory_space<hbm>> -> memref<40x128xi32, #tpu.memory_space<hbm>>
      tpu.wait_dma2 semaphore(%run_scoped3A : memref<!tpu.dma_semaphore, #tpu.memory_space<semaphore_mem>>) src(%dma_wait3A_51 : memref<40x128xi32, #tpu.memory_space<hbm>>) dst(%arg8 : memref<40x128xi32, #tpu.memory_space<vmem>>)
      tpu.yield
    }) : () -> ()
    %dma_start3A = arith.constant 0 : i32
    %dma_start3A_9 = arith.constant 0 : i32
    %dma_start3A_10 = tpu.memref_slice %arg7[%dma_start3A, %dma_start3A_9] : memref<40x128xi32, #tpu.memory_space<vmem>> -> memref<1x128xi32, #tpu.memory_space<vmem>>
    %dma_start3A_11 = tpu.memref_squeeze %dma_start3A_10 : memref<1x128xi32, #tpu.memory_space<vmem>> -> memref<128xi32, #tpu.memory_space<vmem>>
    %dma_start3A_12 = arith.constant 0 : i32
    %dma_start3A_13 = arith.constant 0 : i32
    %dma_start3A_14 = tpu.memref_slice %arg2[%dma_start3A_12, %dma_start3A_13] : memref<10240x128xf32, #tpu.memory_space<hbm>> -> memref<10240x128xf32, #tpu.memory_space<hbm>>
    tpu.enqueue_indirect_dma source(%dma_start3A_14 : memref<10240x128xf32, #tpu.memory_space<hbm>>) target(%arg9 : memref<128x128xf32, #tpu.memory_space<vmem>>) offsets(%dma_start3A_11 : memref<128xi32, #tpu.memory_space<vmem>>) semaphore(%arg12 : memref<!tpu.dma_semaphore, #tpu.memory_space<semaphore_mem>>)
    %scan3A = arith.constant 0 : i32
    %scan3A_15 = arith.constant 0 : i32
    %scan3A_16 = arith.constant 20 : i32
    %scan3A_17 = arith.addi %scan3A_15, %scan3A_16 : i32
    %scan3A_18 = arith.constant 1 : i32
    scf.for %scan3A_45 = %scan3A_15 to %scan3A_17 step %scan3A_18  : i32 {
      %mul3A_46 = arith.constant 2 : i32
      %mul3A_47 = arith.muli %mul3A_46, %scan3A_45 : i32
      %add3A_48 = arith.constant 1 : i32
      %add3A_49 = arith.addi %mul3A_47, %add3A_48 : i32
      %dma_start3A_50 = arith.constant 0 : i32
      %dma_start3A_51 = tpu.memref_slice %arg7[%add3A_49, %dma_start3A_50] : memref<40x128xi32, #tpu.memory_space<vmem>> -> memref<1x128xi32, #tpu.memory_space<vmem>>
      %dma_start3A_52 = tpu.memref_squeeze %dma_start3A_51 : memref<1x128xi32, #tpu.memory_space<vmem>> -> memref<128xi32, #tpu.memory_space<vmem>>
      %dma_start3A_53 = arith.constant 0 : i32
      %dma_start3A_54 = arith.constant 0 : i32
      %dma_start3A_55 = tpu.memref_slice %arg2[%dma_start3A_53, %dma_start3A_54] : memref<10240x128xf32, #tpu.memory_space<hbm>> -> memref<10240x128xf32, #tpu.memory_space<hbm>>
      tpu.enqueue_indirect_dma source(%dma_start3A_55 : memref<10240x128xf32, #tpu.memory_space<hbm>>) target(%arg10 : memref<128x128xf32, #tpu.memory_space<vmem>>) offsets(%dma_start3A_52 : memref<128xi32, #tpu.memory_space<vmem>>) semaphore(%arg13 : memref<!tpu.dma_semaphore, #tpu.memory_space<semaphore_mem>>)
      %dma_wait3A = arith.constant 0 : i32
      %dma_wait3A_56 = tpu.memref_slice %arg7[%mul3A_47, %dma_wait3A] : memref<40x128xi32, #tpu.memory_space<vmem>> -> memref<1x128xi32, #tpu.memory_space<vmem>>
      %dma_wait3A_57 = tpu.memref_squeeze %dma_wait3A_56 : memref<1x128xi32, #tpu.memory_space<vmem>> -> memref<128xi32, #tpu.memory_space<vmem>>
      %dma_wait3A_58 = arith.constant 0 : i32
      %dma_wait3A_59 = arith.constant 0 : i32
      %dma_wait3A_60 = tpu.memref_slice %arg2[%dma_wait3A_58, %dma_wait3A_59] : memref<10240x128xf32, #tpu.memory_space<hbm>> -> memref<10240x128xf32, #tpu.memory_space<hbm>>
      tpu.wait_indirect_dma semaphore(%arg12 : memref<!tpu.dma_semaphore, #tpu.memory_space<semaphore_mem>>) src(%dma_wait3A_60 : memref<10240x128xf32, #tpu.memory_space<hbm>>) dst(%arg9 : memref<128x128xf32, #tpu.memory_space<vmem>>)
      "tpu.region"() ({
        %run_scoped3A = tpu.sem_alloc : memref<!tpu.dma_semaphore, #tpu.memory_space<semaphore_mem>>
        %dma_start3A_75 = arith.constant 0 : i32
        %dma_start3A_76 = tpu.memref_slice %arg8[%mul3A_47, %dma_start3A_75] : memref<40x128xi32, #tpu.memory_space<vmem>> -> memref<1x128xi32, #tpu.memory_space<vmem>>
        %dma_start3A_77 = tpu.memref_squeeze %dma_start3A_76 : memref<1x128xi32, #tpu.memory_space<vmem>> -> memref<128xi32, #tpu.memory_space<vmem>>
        %dma_start3A_78 = arith.constant 0 : i32
        %dma_start3A_79 = arith.constant 0 : i32
        %dma_start3A_80 = tpu.memref_slice %arg11[%dma_start3A_78, %dma_start3A_79] : memref<10240x128xf32, #tpu.memory_space<vmem_shared>> -> memref<10240x128xf32, #tpu.memory_space<vmem_shared>>
        tpu.enqueue_indirect_dma source(%arg9 : memref<128x128xf32, #tpu.memory_space<vmem>>) target(%dma_start3A_80 : memref<10240x128xf32, #tpu.memory_space<vmem_shared>>) offsets(%dma_start3A_77 : memref<128xi32, #tpu.memory_space<vmem>>) semaphore(%run_scoped3A : memref<!tpu.dma_semaphore, #tpu.memory_space<semaphore_mem>>) {add = true}
        %dma_wait3A_81 = arith.constant 0 : i32
        %dma_wait3A_82 = tpu.memref_slice %arg8[%mul3A_47, %dma_wait3A_81] : memref<40x128xi32, #tpu.memory_space<vmem>> -> memref<1x128xi32, #tpu.memory_space<vmem>>
        %dma_wait3A_83 = tpu.memref_squeeze %dma_wait3A_82 : memref<1x128xi32, #tpu.memory_space<vmem>> -> memref<128xi32, #tpu.memory_space<vmem>>
        %dma_wait3A_84 = arith.constant 0 : i32
        %dma_wait3A_85 = arith.constant 0 : i32
        %dma_wait3A_86 = tpu.memref_slice %arg11[%dma_wait3A_84, %dma_wait3A_85] : memref<10240x128xf32, #tpu.memory_space<vmem_shared>> -> memref<10240x128xf32, #tpu.memory_space<vmem_shared>>
        tpu.wait_indirect_dma semaphore(%run_scoped3A : memref<!tpu.dma_semaphore, #tpu.memory_space<semaphore_mem>>) src(%arg9 : memref<128x128xf32, #tpu.memory_space<vmem>>) dst(%dma_wait3A_86 : memref<10240x128xf32, #tpu.memory_space<vmem_shared>>)
        tpu.yield
      }) : () -> ()
      %add3A_61 = arith.constant 1 : i32
      %add3A_62 = arith.addi %scan3A_45, %add3A_61 : i32
      %lt3A = arith.constant 20 : i32
      %lt3A_63 = arith.cmpi slt, %add3A_62, %lt3A : i32
      %convert_element_type3A = arith.extui %lt3A_63 : i1 to i32
      %cond3A = arith.constant 0 : i32
      %cond3A_64 = arith.cmpi ne, %convert_element_type3A, %cond3A : i32
      scf.if %cond3A_64 {
        %add3A_75 = arith.constant 2 : i32
        %add3A_76 = arith.addi %mul3A_47, %add3A_75 : i32
        %dma_start3A_77 = arith.constant 0 : i32
        %dma_start3A_78 = tpu.memref_slice %arg7[%add3A_76, %dma_start3A_77] : memref<40x128xi32, #tpu.memory_space<vmem>> -> memref<1x128xi32, #tpu.memory_space<vmem>>
        %dma_start3A_79 = tpu.memref_squeeze %dma_start3A_78 : memref<1x128xi32, #tpu.memory_space<vmem>> -> memref<128xi32, #tpu.memory_space<vmem>>
        %dma_start3A_80 = arith.constant 0 : i32
        %dma_start3A_81 = arith.constant 0 : i32
        %dma_start3A_82 = tpu.memref_slice %arg2[%dma_start3A_80, %dma_start3A_81] : memref<10240x128xf32, #tpu.memory_space<hbm>> -> memref<10240x128xf32, #tpu.memory_space<hbm>>
        tpu.enqueue_indirect_dma source(%dma_start3A_82 : memref<10240x128xf32, #tpu.memory_space<hbm>>) target(%arg9 : memref<128x128xf32, #tpu.memory_space<vmem>>) offsets(%dma_start3A_79 : memref<128xi32, #tpu.memory_space<vmem>>) semaphore(%arg12 : memref<!tpu.dma_semaphore, #tpu.memory_space<semaphore_mem>>)
      } else {
      }
      %add3A_65 = arith.constant 1 : i32
      %add3A_66 = arith.addi %mul3A_47, %add3A_65 : i32
      %dma_wait3A_67 = arith.constant 0 : i32
      %dma_wait3A_68 = tpu.memref_slice %arg7[%add3A_66, %dma_wait3A_67] : memref<40x128xi32, #tpu.memory_space<vmem>> -> memref<1x128xi32, #tpu.memory_space<vmem>>
      %dma_wait3A_69 = tpu.memref_squeeze %dma_wait3A_68 : memref<1x128xi32, #tpu.memory_space<vmem>> -> memref<128xi32, #tpu.memory_space<vmem>>
      %dma_wait3A_70 = arith.constant 0 : i32
      %dma_wait3A_71 = arith.constant 0 : i32
      %dma_wait3A_72 = tpu.memref_slice %arg2[%dma_wait3A_70, %dma_wait3A_71] : memref<10240x128xf32, #tpu.memory_space<hbm>> -> memref<10240x128xf32, #tpu.memory_space<hbm>>
      tpu.wait_indirect_dma semaphore(%arg13 : memref<!tpu.dma_semaphore, #tpu.memory_space<semaphore_mem>>) src(%dma_wait3A_72 : memref<10240x128xf32, #tpu.memory_space<hbm>>) dst(%arg10 : memref<128x128xf32, #tpu.memory_space<vmem>>)
      %add3A_73 = arith.constant 1 : i32
      %add3A_74 = arith.addi %mul3A_47, %add3A_73 : i32
      "tpu.region"() ({
        %run_scoped3A = tpu.sem_alloc : memref<!tpu.dma_semaphore, #tpu.memory_space<semaphore_mem>>
        %dma_start3A_75 = arith.constant 0 : i32
        %dma_start3A_76 = tpu.memref_slice %arg8[%add3A_74, %dma_start3A_75] : memref<40x128xi32, #tpu.memory_space<vmem>> -> memref<1x128xi32, #tpu.memory_space<vmem>>
        %dma_start3A_77 = tpu.memref_squeeze %dma_start3A_76 : memref<1x128xi32, #tpu.memory_space<vmem>> -> memref<128xi32, #tpu.memory_space<vmem>>
        %dma_start3A_78 = arith.constant 0 : i32
        %dma_start3A_79 = arith.constant 0 : i32
        %dma_start3A_80 = tpu.memref_slice %arg11[%dma_start3A_78, %dma_start3A_79] : memref<10240x128xf32, #tpu.memory_space<vmem_shared>> -> memref<10240x128xf32, #tpu.memory_space<vmem_shared>>
        tpu.enqueue_indirect_dma source(%arg10 : memref<128x128xf32, #tpu.memory_space<vmem>>) target(%dma_start3A_80 : memref<10240x128xf32, #tpu.memory_space<vmem_shared>>) offsets(%dma_start3A_77 : memref<128xi32, #tpu.memory_space<vmem>>) semaphore(%run_scoped3A : memref<!tpu.dma_semaphore, #tpu.memory_space<semaphore_mem>>) {add = true}
        %dma_wait3A_81 = arith.constant 0 : i32
        %dma_wait3A_82 = tpu.memref_slice %arg8[%add3A_74, %dma_wait3A_81] : memref<40x128xi32, #tpu.memory_space<vmem>> -> memref<1x128xi32, #tpu.memory_space<vmem>>
        %dma_wait3A_83 = tpu.memref_squeeze %dma_wait3A_82 : memref<1x128xi32, #tpu.memory_space<vmem>> -> memref<128xi32, #tpu.memory_space<vmem>>
        %dma_wait3A_84 = arith.constant 0 : i32
        %dma_wait3A_85 = arith.constant 0 : i32
        %dma_wait3A_86 = tpu.memref_slice %arg11[%dma_wait3A_84, %dma_wait3A_85] : memref<10240x128xf32, #tpu.memory_space<vmem_shared>> -> memref<10240x128xf32, #tpu.memory_space<vmem_shared>>
        tpu.wait_indirect_dma semaphore(%run_scoped3A : memref<!tpu.dma_semaphore, #tpu.memory_space<semaphore_mem>>) src(%arg10 : memref<128x128xf32, #tpu.memory_space<vmem>>) dst(%dma_wait3A_86 : memref<10240x128xf32, #tpu.memory_space<vmem_shared>>)
        tpu.yield
      }) : () -> ()
    }
    %scan3A_19 = arith.constant 20 : i32
    %mul3A_20 = arith.constant 80 : i32
    %mul3A_21 = arith.muli %add3A, %mul3A_20 : i32
    %add3A_22 = arith.constant 40 : i32
    %add3A_23 = arith.addi %mul3A_21, %add3A_22 : i32
    "tpu.region"() ({
      %run_scoped3A = tpu.sem_alloc : memref<!tpu.dma_semaphore, #tpu.memory_space<semaphore_mem>>
      %dma_start3A_45 = arith.constant 0 : i32
      %dma_start3A_46 = tpu.memref_slice %arg3[%add3A_23, %dma_start3A_45] : memref<2560x128xi32, #tpu.memory_space<hbm>> -> memref<40x128xi32, #tpu.memory_space<hbm>>
      %dma_start3A_47 = arith.constant 0 : i32
      %dma_start3A_48 = tpu.memref_slice %arg3[%add3A_23, %dma_start3A_47] : memref<2560x128xi32, #tpu.memory_space<hbm>> -> memref<40x128xi32, #tpu.memory_space<hbm>>
      tpu.enqueue_dma source(%dma_start3A_48 : memref<40x128xi32, #tpu.memory_space<hbm>>) target(%arg7 : memref<40x128xi32, #tpu.memory_space<vmem>>) target_semaphore(%run_scoped3A : memref<!tpu.dma_semaphore, #tpu.memory_space<semaphore_mem>>)
      %dma_wait3A = arith.constant 0 : i32
      %dma_wait3A_49 = tpu.memref_slice %arg3[%add3A_23, %dma_wait3A] : memref<2560x128xi32, #tpu.memory_space<hbm>> -> memref<40x128xi32, #tpu.memory_space<hbm>>
      %dma_wait3A_50 = arith.constant 0 : i32
      %dma_wait3A_51 = tpu.memref_slice %arg3[%add3A_23, %dma_wait3A_50] : memref<2560x128xi32, #tpu.memory_space<hbm>> -> memref<40x128xi32, #tpu.memory_space<hbm>>
      tpu.wait_dma2 semaphore(%run_scoped3A : memref<!tpu.dma_semaphore, #tpu.memory_space<semaphore_mem>>) src(%dma_wait3A_51 : memref<40x128xi32, #tpu.memory_space<hbm>>) dst(%arg7 : memref<40x128xi32, #tpu.memory_space<vmem>>)
      tpu.yield
    }) : () -> ()
    "tpu.region"() ({
      %run_scoped3A = tpu.sem_alloc : memref<!tpu.dma_semaphore, #tpu.memory_space<semaphore_mem>>
      %dma_start3A_45 = arith.constant 0 : i32
      %dma_start3A_46 = tpu.memref_slice %arg4[%add3A_23, %dma_start3A_45] : memref<2560x128xi32, #tpu.memory_space<hbm>> -> memref<40x128xi32, #tpu.memory_space<hbm>>
      %dma_start3A_47 = arith.constant 0 : i32
      %dma_start3A_48 = tpu.memref_slice %arg4[%add3A_23, %dma_start3A_47] : memref<2560x128xi32, #tpu.memory_space<hbm>> -> memref<40x128xi32, #tpu.memory_space<hbm>>
      tpu.enqueue_dma source(%dma_start3A_48 : memref<40x128xi32, #tpu.memory_space<hbm>>) target(%arg8 : memref<40x128xi32, #tpu.memory_space<vmem>>) target_semaphore(%run_scoped3A : memref<!tpu.dma_semaphore, #tpu.memory_space<semaphore_mem>>)
      %dma_wait3A = arith.constant 0 : i32
      %dma_wait3A_49 = tpu.memref_slice %arg4[%add3A_23, %dma_wait3A] : memref<2560x128xi32, #tpu.memory_space<hbm>> -> memref<40x128xi32, #tpu.memory_space<hbm>>
      %dma_wait3A_50 = arith.constant 0 : i32
      %dma_wait3A_51 = tpu.memref_slice %arg4[%add3A_23, %dma_wait3A_50] : memref<2560x128xi32, #tpu.memory_space<hbm>> -> memref<40x128xi32, #tpu.memory_space<hbm>>
      tpu.wait_dma2 semaphore(%run_scoped3A : memref<!tpu.dma_semaphore, #tpu.memory_space<semaphore_mem>>) src(%dma_wait3A_51 : memref<40x128xi32, #tpu.memory_space<hbm>>) dst(%arg8 : memref<40x128xi32, #tpu.memory_space<vmem>>)
      tpu.yield
    }) : () -> ()
    %dma_start3A_24 = arith.constant 0 : i32
    %dma_start3A_25 = arith.constant 0 : i32
    %dma_start3A_26 = tpu.memref_slice %arg7[%dma_start3A_24, %dma_start3A_25] : memref<40x128xi32, #tpu.memory_space<vmem>> -> memref<1x128xi32, #tpu.memory_space<vmem>>
    %dma_start3A_27 = tpu.memref_squeeze %dma_start3A_26 : memref<1x128xi32, #tpu.memory_space<vmem>> -> memref<128xi32, #tpu.memory_space<vmem>>
    %dma_start3A_28 = arith.constant 0 : i32
    %dma_start3A_29 = arith.constant 0 : i32
    %dma_start3A_30 = tpu.memref_slice %arg2[%dma_start3A_28, %dma_start3A_29] : memref<10240x128xf32, #tpu.memory_space<hbm>> -> memref<10240x128xf32, #tpu.memory_space<hbm>>
    tpu.enqueue_indirect_dma source(%dma_start3A_30 : memref<10240x128xf32, #tpu.memory_space<hbm>>) target(%arg9 : memref<128x128xf32, #tpu.memory_space<vmem>>) offsets(%dma_start3A_27 : memref<128xi32, #tpu.memory_space<vmem>>) semaphore(%arg12 : memref<!tpu.dma_semaphore, #tpu.memory_space<semaphore_mem>>)
    %scan3A_31 = arith.constant 0 : i32
    %scan3A_32 = arith.constant 0 : i32
    %scan3A_33 = arith.constant 20 : i32
    %scan3A_34 = arith.addi %scan3A_32, %scan3A_33 : i32
    %scan3A_35 = arith.constant 1 : i32
    scf.for %scan3A_45 = %scan3A_32 to %scan3A_34 step %scan3A_35  : i32 {
      %mul3A_46 = arith.constant 2 : i32
      %mul3A_47 = arith.muli %mul3A_46, %scan3A_45 : i32
      %add3A_48 = arith.constant 1 : i32
      %add3A_49 = arith.addi %mul3A_47, %add3A_48 : i32
      %dma_start3A_50 = arith.constant 0 : i32
      %dma_start3A_51 = tpu.memref_slice %arg7[%add3A_49, %dma_start3A_50] : memref<40x128xi32, #tpu.memory_space<vmem>> -> memref<1x128xi32, #tpu.memory_space<vmem>>
      %dma_start3A_52 = tpu.memref_squeeze %dma_start3A_51 : memref<1x128xi32, #tpu.memory_space<vmem>> -> memref<128xi32, #tpu.memory_space<vmem>>
      %dma_start3A_53 = arith.constant 0 : i32
      %dma_start3A_54 = arith.constant 0 : i32
      %dma_start3A_55 = tpu.memref_slice %arg2[%dma_start3A_53, %dma_start3A_54] : memref<10240x128xf32, #tpu.memory_space<hbm>> -> memref<10240x128xf32, #tpu.memory_space<hbm>>
      tpu.enqueue_indirect_dma source(%dma_start3A_55 : memref<10240x128xf32, #tpu.memory_space<hbm>>) target(%arg10 : memref<128x128xf32, #tpu.memory_space<vmem>>) offsets(%dma_start3A_52 : memref<128xi32, #tpu.memory_space<vmem>>) semaphore(%arg13 : memref<!tpu.dma_semaphore, #tpu.memory_space<semaphore_mem>>)
      %dma_wait3A = arith.constant 0 : i32
      %dma_wait3A_56 = tpu.memref_slice %arg7[%mul3A_47, %dma_wait3A] : memref<40x128xi32, #tpu.memory_space<vmem>> -> memref<1x128xi32, #tpu.memory_space<vmem>>
      %dma_wait3A_57 = tpu.memref_squeeze %dma_wait3A_56 : memref<1x128xi32, #tpu.memory_space<vmem>> -> memref<128xi32, #tpu.memory_space<vmem>>
      %dma_wait3A_58 = arith.constant 0 : i32
      %dma_wait3A_59 = arith.constant 0 : i32
      %dma_wait3A_60 = tpu.memref_slice %arg2[%dma_wait3A_58, %dma_wait3A_59] : memref<10240x128xf32, #tpu.memory_space<hbm>> -> memref<10240x128xf32, #tpu.memory_space<hbm>>
      tpu.wait_indirect_dma semaphore(%arg12 : memref<!tpu.dma_semaphore, #tpu.memory_space<semaphore_mem>>) src(%dma_wait3A_60 : memref<10240x128xf32, #tpu.memory_space<hbm>>) dst(%arg9 : memref<128x128xf32, #tpu.memory_space<vmem>>)
      "tpu.region"() ({
        %run_scoped3A = tpu.sem_alloc : memref<!tpu.dma_semaphore, #tpu.memory_space<semaphore_mem>>
        %dma_start3A_75 = arith.constant 0 : i32
        %dma_start3A_76 = tpu.memref_slice %arg8[%mul3A_47, %dma_start3A_75] : memref<40x128xi32, #tpu.memory_space<vmem>> -> memref<1x128xi32, #tpu.memory_space<vmem>>
        %dma_start3A_77 = tpu.memref_squeeze %dma_start3A_76 : memref<1x128xi32, #tpu.memory_space<vmem>> -> memref<128xi32, #tpu.memory_space<vmem>>
        %dma_start3A_78 = arith.constant 0 : i32
        %dma_start3A_79 = arith.constant 0 : i32
        %dma_start3A_80 = tpu.memref_slice %arg11[%dma_start3A_78, %dma_start3A_79] : memref<10240x128xf32, #tpu.memory_space<vmem_shared>> -> memref<10240x128xf32, #tpu.memory_space<vmem_shared>>
        tpu.enqueue_indirect_dma source(%arg9 : memref<128x128xf32, #tpu.memory_space<vmem>>) target(%dma_start3A_80 : memref<10240x128xf32, #tpu.memory_space<vmem_shared>>) offsets(%dma_start3A_77 : memref<128xi32, #tpu.memory_space<vmem>>) semaphore(%run_scoped3A : memref<!tpu.dma_semaphore, #tpu.memory_space<semaphore_mem>>) {add = true}
        %dma_wait3A_81 = arith.constant 0 : i32
        %dma_wait3A_82 = tpu.memref_slice %arg8[%mul3A_47, %dma_wait3A_81] : memref<40x128xi32, #tpu.memory_space<vmem>> -> memref<1x128xi32, #tpu.memory_space<vmem>>
        %dma_wait3A_83 = tpu.memref_squeeze %dma_wait3A_82 : memref<1x128xi32, #tpu.memory_space<vmem>> -> memref<128xi32, #tpu.memory_space<vmem>>
        %dma_wait3A_84 = arith.constant 0 : i32
        %dma_wait3A_85 = arith.constant 0 : i32
        %dma_wait3A_86 = tpu.memref_slice %arg11[%dma_wait3A_84, %dma_wait3A_85] : memref<10240x128xf32, #tpu.memory_space<vmem_shared>> -> memref<10240x128xf32, #tpu.memory_space<vmem_shared>>
        tpu.wait_indirect_dma semaphore(%run_scoped3A : memref<!tpu.dma_semaphore, #tpu.memory_space<semaphore_mem>>) src(%arg9 : memref<128x128xf32, #tpu.memory_space<vmem>>) dst(%dma_wait3A_86 : memref<10240x128xf32, #tpu.memory_space<vmem_shared>>)
        tpu.yield
      }) : () -> ()
      %add3A_61 = arith.constant 1 : i32
      %add3A_62 = arith.addi %scan3A_45, %add3A_61 : i32
      %lt3A = arith.constant 20 : i32
      %lt3A_63 = arith.cmpi slt, %add3A_62, %lt3A : i32
      %convert_element_type3A = arith.extui %lt3A_63 : i1 to i32
      %cond3A = arith.constant 0 : i32
      %cond3A_64 = arith.cmpi ne, %convert_element_type3A, %cond3A : i32
      scf.if %cond3A_64 {
        %add3A_75 = arith.constant 2 : i32
        %add3A_76 = arith.addi %mul3A_47, %add3A_75 : i32
        %dma_start3A_77 = arith.constant 0 : i32
        %dma_start3A_78 = tpu.memref_slice %arg7[%add3A_76, %dma_start3A_77] : memref<40x128xi32, #tpu.memory_space<vmem>> -> memref<1x128xi32, #tpu.memory_space<vmem>>
        %dma_start3A_79 = tpu.memref_squeeze %dma_start3A_78 : memref<1x128xi32, #tpu.memory_space<vmem>> -> memref<128xi32, #tpu.memory_space<vmem>>
        %dma_start3A_80 = arith.constant 0 : i32
        %dma_start3A_81 = arith.constant 0 : i32
        %dma_start3A_82 = tpu.memref_slice %arg2[%dma_start3A_80, %dma_start3A_81] : memref<10240x128xf32, #tpu.memory_space<hbm>> -> memref<10240x128xf32, #tpu.memory_space<hbm>>
        tpu.enqueue_indirect_dma source(%dma_start3A_82 : memref<10240x128xf32, #tpu.memory_space<hbm>>) target(%arg9 : memref<128x128xf32, #tpu.memory_space<vmem>>) offsets(%dma_start3A_79 : memref<128xi32, #tpu.memory_space<vmem>>) semaphore(%arg12 : memref<!tpu.dma_semaphore, #tpu.memory_space<semaphore_mem>>)
      } else {
      }
      %add3A_65 = arith.constant 1 : i32
      %add3A_66 = arith.addi %mul3A_47, %add3A_65 : i32
      %dma_wait3A_67 = arith.constant 0 : i32
      %dma_wait3A_68 = tpu.memref_slice %arg7[%add3A_66, %dma_wait3A_67] : memref<40x128xi32, #tpu.memory_space<vmem>> -> memref<1x128xi32, #tpu.memory_space<vmem>>
      %dma_wait3A_69 = tpu.memref_squeeze %dma_wait3A_68 : memref<1x128xi32, #tpu.memory_space<vmem>> -> memref<128xi32, #tpu.memory_space<vmem>>
      %dma_wait3A_70 = arith.constant 0 : i32
      %dma_wait3A_71 = arith.constant 0 : i32
      %dma_wait3A_72 = tpu.memref_slice %arg2[%dma_wait3A_70, %dma_wait3A_71] : memref<10240x128xf32, #tpu.memory_space<hbm>> -> memref<10240x128xf32, #tpu.memory_space<hbm>>
      tpu.wait_indirect_dma semaphore(%arg13 : memref<!tpu.dma_semaphore, #tpu.memory_space<semaphore_mem>>) src(%dma_wait3A_72 : memref<10240x128xf32, #tpu.memory_space<hbm>>) dst(%arg10 : memref<128x128xf32, #tpu.memory_space<vmem>>)
      %add3A_73 = arith.constant 1 : i32
      %add3A_74 = arith.addi %mul3A_47, %add3A_73 : i32
      "tpu.region"() ({
        %run_scoped3A = tpu.sem_alloc : memref<!tpu.dma_semaphore, #tpu.memory_space<semaphore_mem>>
        %dma_start3A_75 = arith.constant 0 : i32
        %dma_start3A_76 = tpu.memref_slice %arg8[%add3A_74, %dma_start3A_75] : memref<40x128xi32, #tpu.memory_space<vmem>> -> memref<1x128xi32, #tpu.memory_space<vmem>>
        %dma_start3A_77 = tpu.memref_squeeze %dma_start3A_76 : memref<1x128xi32, #tpu.memory_space<vmem>> -> memref<128xi32, #tpu.memory_space<vmem>>
        %dma_start3A_78 = arith.constant 0 : i32
        %dma_start3A_79 = arith.constant 0 : i32
        %dma_start3A_80 = tpu.memref_slice %arg11[%dma_start3A_78, %dma_start3A_79] : memref<10240x128xf32, #tpu.memory_space<vmem_shared>> -> memref<10240x128xf32, #tpu.memory_space<vmem_shared>>
        tpu.enqueue_indirect_dma source(%arg10 : memref<128x128xf32, #tpu.memory_space<vmem>>) target(%dma_start3A_80 : memref<10240x128xf32, #tpu.memory_space<vmem_shared>>) offsets(%dma_start3A_77 : memref<128xi32, #tpu.memory_space<vmem>>) semaphore(%run_scoped3A : memref<!tpu.dma_semaphore, #tpu.memory_space<semaphore_mem>>) {add = true}
        %dma_wait3A_81 = arith.constant 0 : i32
        %dma_wait3A_82 = tpu.memref_slice %arg8[%add3A_74, %dma_wait3A_81] : memref<40x128xi32, #tpu.memory_space<vmem>> -> memref<1x128xi32, #tpu.memory_space<vmem>>
        %dma_wait3A_83 = tpu.memref_squeeze %dma_wait3A_82 : memref<1x128xi32, #tpu.memory_space<vmem>> -> memref<128xi32, #tpu.memory_space<vmem>>
        %dma_wait3A_84 = arith.constant 0 : i32
        %dma_wait3A_85 = arith.constant 0 : i32
        %dma_wait3A_86 = tpu.memref_slice %arg11[%dma_wait3A_84, %dma_wait3A_85] : memref<10240x128xf32, #tpu.memory_space<vmem_shared>> -> memref<10240x128xf32, #tpu.memory_space<vmem_shared>>
        tpu.wait_indirect_dma semaphore(%run_scoped3A : memref<!tpu.dma_semaphore, #tpu.memory_space<semaphore_mem>>) src(%arg10 : memref<128x128xf32, #tpu.memory_space<vmem>>) dst(%dma_wait3A_86 : memref<10240x128xf32, #tpu.memory_space<vmem_shared>>)
        tpu.yield
      }) : () -> ()
    }
    %scan3A_36 = arith.constant 20 : i32
    %barrier3A_37 = arith.constant 0 : index
    tpu.barrier barrier_id(%barrier3A_37)
    %mul3A_38 = arith.constant 640 : i32
    %mul3A_39 = arith.muli %arg1, %mul3A_38 : i32
    %mul3A_40 = arith.constant 10240 : i32
    %mul3A_41 = arith.muli %arg0, %mul3A_40 : i32
    %mul3A_42 = arith.constant 640 : i32
    %mul3A_43 = arith.muli %arg1, %mul3A_42 : i32
    %add3A_44 = arith.addi %mul3A_41, %mul3A_43 : i32
    "tpu.region"() ({
      %run_scoped3A = tpu.sem_alloc : memref<!tpu.dma_semaphore, #tpu.memory_space<semaphore_mem>>
      %dma_start3A_45 = arith.constant 0 : i32
      %dma_start3A_46 = tpu.memref_slice %arg6[%add3A_44, %dma_start3A_45] : memref<20480x128xf32, #tpu.memory_space<hbm>> -> memref<640x128xf32, #tpu.memory_space<hbm>>
      %dma_start3A_47 = arith.constant 0 : i32
      %dma_start3A_48 = tpu.memref_slice %arg11[%mul3A_39, %dma_start3A_47] : memref<10240x128xf32, #tpu.memory_space<vmem_shared>> -> memref<640x128xf32, #tpu.memory_space<vmem_shared>>
      tpu.enqueue_dma source(%dma_start3A_48 : memref<640x128xf32, #tpu.memory_space<vmem_shared>>) target(%dma_start3A_46 : memref<640x128xf32, #tpu.memory_space<hbm>>) target_semaphore(%run_scoped3A : memref<!tpu.dma_semaphore, #tpu.memory_space<semaphore_mem>>)
      %dma_wait3A = arith.constant 0 : i32
      %dma_wait3A_49 = tpu.memref_slice %arg6[%add3A_44, %dma_wait3A] : memref<20480x128xf32, #tpu.memory_space<hbm>> -> memref<640x128xf32, #tpu.memory_space<hbm>>
      %dma_wait3A_50 = arith.constant 0 : i32
      %dma_wait3A_51 = tpu.memref_slice %arg11[%mul3A_39, %dma_wait3A_50] : memref<10240x128xf32, #tpu.memory_space<vmem_shared>> -> memref<640x128xf32, #tpu.memory_space<vmem_shared>>
      tpu.wait_dma2 semaphore(%run_scoped3A : memref<!tpu.dma_semaphore, #tpu.memory_space<semaphore_mem>>) src(%dma_wait3A_51 : memref<640x128xf32, #tpu.memory_space<vmem_shared>>) dst(%dma_wait3A_49 : memref<640x128xf32, #tpu.memory_space<hbm>>)
      tpu.yield
    }) : () -> ()
    return
  }
}

#map = affine_map<(d0, d1) -> (0, 0)>
module attributes {stable_mosaic.version = 14 : i64} {
  func.func @_sc_degree(%arg0: i32, %arg1: i32, %arg2: memref<2560x128xi32, #tpu.memory_space<hbm>>, %arg3: memref<10240x16xf32, #tpu.memory_space<hbm>>, %arg4: memref<20480x16xf32, #tpu.memory_space<hbm>>, %arg5: memref<80x128xi32, #tpu.memory_space<vmem>>, %arg6: memref<128x16xf32, #tpu.memory_space<vmem>>, %arg7: memref<10240x16xf32, #tpu.memory_space<vmem_shared>>) attributes {dimension_semantics = [#tpu.dimension_semantics<core_parallel>, #tpu.dimension_semantics<subcore_parallel>], iteration_bounds = array<i64: 2, 16>, scalar_prefetch = 0 : i64, scratch_operands = 3 : i64, tpu.core_type = #tpu.core_type<sc_vector_subcore>, window_params = [{transform_indices = #map}, {transform_indices = #map}, {transform_indices = #map}]} {
    %mul3A = arith.constant 2 : i32
    %mul3A_0 = arith.muli %arg1, %mul3A : i32
    %add3A = arith.addi %mul3A_0, %arg0 : i32
    %mul3A_1 = arith.constant 640 : i32
    %mul3A_2 = arith.muli %arg1, %mul3A_1 : i32
    %mul3A_3 = arith.constant 640 : i32
    %mul3A_4 = arith.muli %arg1, %mul3A_3 : i32
    "tpu.region"() ({
      %run_scoped3A = tpu.sem_alloc : memref<!tpu.dma_semaphore, #tpu.memory_space<semaphore_mem>>
      %dma_start3A = arith.constant 0 : i32
      %dma_start3A_26 = tpu.memref_slice %arg7[%mul3A_4, %dma_start3A] : memref<10240x16xf32, #tpu.memory_space<vmem_shared>> -> memref<640x16xf32, #tpu.memory_space<vmem_shared>>
      %dma_start3A_27 = arith.constant 0 : i32
      %dma_start3A_28 = tpu.memref_slice %arg3[%mul3A_2, %dma_start3A_27] : memref<10240x16xf32, #tpu.memory_space<hbm>> -> memref<640x16xf32, #tpu.memory_space<hbm>>
      tpu.enqueue_dma source(%dma_start3A_28 : memref<640x16xf32, #tpu.memory_space<hbm>>) target(%dma_start3A_26 : memref<640x16xf32, #tpu.memory_space<vmem_shared>>) target_semaphore(%run_scoped3A : memref<!tpu.dma_semaphore, #tpu.memory_space<semaphore_mem>>)
      %dma_wait3A = arith.constant 0 : i32
      %dma_wait3A_29 = tpu.memref_slice %arg7[%mul3A_4, %dma_wait3A] : memref<10240x16xf32, #tpu.memory_space<vmem_shared>> -> memref<640x16xf32, #tpu.memory_space<vmem_shared>>
      %dma_wait3A_30 = arith.constant 0 : i32
      %dma_wait3A_31 = tpu.memref_slice %arg3[%mul3A_2, %dma_wait3A_30] : memref<10240x16xf32, #tpu.memory_space<hbm>> -> memref<640x16xf32, #tpu.memory_space<hbm>>
      tpu.wait_dma2 semaphore(%run_scoped3A : memref<!tpu.dma_semaphore, #tpu.memory_space<semaphore_mem>>) src(%dma_wait3A_31 : memref<640x16xf32, #tpu.memory_space<hbm>>) dst(%dma_wait3A_29 : memref<640x16xf32, #tpu.memory_space<vmem_shared>>)
      tpu.yield
    }) : () -> ()
    %scan3A = arith.constant 0 : i32
    %scan3A_5 = arith.constant 0 : i32
    %scan3A_6 = arith.constant 128 : i32
    %scan3A_7 = arith.addi %scan3A_5, %scan3A_6 : i32
    %scan3A_8 = arith.constant 1 : i32
    scf.for %scan3A_26 = %scan3A_5 to %scan3A_7 step %scan3A_8  : i32 {
      %broadcast_in_dim3A = arith.constant 1.000000e+00 : f32
      %broadcast_in_dim3A_27 = vector.broadcast %broadcast_in_dim3A : f32 to vector<16xf32>
      %swap3A = arith.index_cast %scan3A_26 : i32 to index
      %swap3A_28 = arith.constant 0 : index
      %swap3A_29 = tpu.vector_load %arg6[%swap3A, %swap3A_28] {strides = array<i32>} : memref<128x16xf32, #tpu.memory_space<vmem>>, vector<1x16xf32>,
      %swap3A_30 = vector.shape_cast %swap3A_29 : vector<1x16xf32> to vector<16xf32>
      %swap3A_31 = vector.shape_cast %broadcast_in_dim3A_27 : vector<16xf32> to vector<1x16xf32>
      tpu.vector_store %arg6[%swap3A, %swap3A_28], %swap3A_31 {strides = array<i32>} : memref<128x16xf32, #tpu.memory_space<vmem>>, vector<1x16xf32>,
    }
    %scan3A_9 = arith.constant 128 : i32
    %mul3A_10 = arith.constant 80 : i32
    %mul3A_11 = arith.muli %add3A, %mul3A_10 : i32
    "tpu.region"() ({
      %run_scoped3A = tpu.sem_alloc : memref<!tpu.dma_semaphore, #tpu.memory_space<semaphore_mem>>
      %dma_start3A = arith.constant 0 : i32
      %dma_start3A_26 = tpu.memref_slice %arg2[%mul3A_11, %dma_start3A] : memref<2560x128xi32, #tpu.memory_space<hbm>> -> memref<80x128xi32, #tpu.memory_space<hbm>>
      %dma_start3A_27 = arith.constant 0 : i32
      %dma_start3A_28 = tpu.memref_slice %arg2[%mul3A_11, %dma_start3A_27] : memref<2560x128xi32, #tpu.memory_space<hbm>> -> memref<80x128xi32, #tpu.memory_space<hbm>>
      tpu.enqueue_dma source(%dma_start3A_28 : memref<80x128xi32, #tpu.memory_space<hbm>>) target(%arg5 : memref<80x128xi32, #tpu.memory_space<vmem>>) target_semaphore(%run_scoped3A : memref<!tpu.dma_semaphore, #tpu.memory_space<semaphore_mem>>)
      %dma_wait3A = arith.constant 0 : i32
      %dma_wait3A_29 = tpu.memref_slice %arg2[%mul3A_11, %dma_wait3A] : memref<2560x128xi32, #tpu.memory_space<hbm>> -> memref<80x128xi32, #tpu.memory_space<hbm>>
      %dma_wait3A_30 = arith.constant 0 : i32
      %dma_wait3A_31 = tpu.memref_slice %arg2[%mul3A_11, %dma_wait3A_30] : memref<2560x128xi32, #tpu.memory_space<hbm>> -> memref<80x128xi32, #tpu.memory_space<hbm>>
      tpu.wait_dma2 semaphore(%run_scoped3A : memref<!tpu.dma_semaphore, #tpu.memory_space<semaphore_mem>>) src(%dma_wait3A_31 : memref<80x128xi32, #tpu.memory_space<hbm>>) dst(%arg5 : memref<80x128xi32, #tpu.memory_space<vmem>>)
      tpu.yield
    }) : () -> ()
    %barrier3A = arith.constant 0 : index
    tpu.barrier barrier_id(%barrier3A)
    %scan3A_12 = arith.constant 0 : i32
    %scan3A_13 = arith.constant 0 : i32
    %scan3A_14 = arith.constant 80 : i32
    %scan3A_15 = arith.addi %scan3A_13, %scan3A_14 : i32
    %scan3A_16 = arith.constant 1 : i32
    scf.for %scan3A_26 = %scan3A_13 to %scan3A_15 step %scan3A_16  : i32 {
      "tpu.region"() ({
        %run_scoped3A = tpu.sem_alloc : memref<!tpu.dma_semaphore, #tpu.memory_space<semaphore_mem>>
        %dma_start3A = arith.constant 0 : i32
        %dma_start3A_27 = tpu.memref_slice %arg5[%scan3A_26, %dma_start3A] : memref<80x128xi32, #tpu.memory_space<vmem>> -> memref<1x128xi32, #tpu.memory_space<vmem>>
        %dma_start3A_28 = tpu.memref_squeeze %dma_start3A_27 : memref<1x128xi32, #tpu.memory_space<vmem>> -> memref<128xi32, #tpu.memory_space<vmem>>
        %dma_start3A_29 = arith.constant 0 : i32
        %dma_start3A_30 = arith.constant 0 : i32
        %dma_start3A_31 = tpu.memref_slice %arg7[%dma_start3A_29, %dma_start3A_30] : memref<10240x16xf32, #tpu.memory_space<vmem_shared>> -> memref<10240x16xf32, #tpu.memory_space<vmem_shared>>
        tpu.enqueue_indirect_dma source(%arg6 : memref<128x16xf32, #tpu.memory_space<vmem>>) target(%dma_start3A_31 : memref<10240x16xf32, #tpu.memory_space<vmem_shared>>) offsets(%dma_start3A_28 : memref<128xi32, #tpu.memory_space<vmem>>) semaphore(%run_scoped3A : memref<!tpu.dma_semaphore, #tpu.memory_space<semaphore_mem>>) {add = true}
        %dma_wait3A = arith.constant 0 : i32
        %dma_wait3A_32 = tpu.memref_slice %arg5[%scan3A_26, %dma_wait3A] : memref<80x128xi32, #tpu.memory_space<vmem>> -> memref<1x128xi32, #tpu.memory_space<vmem>>
        %dma_wait3A_33 = tpu.memref_squeeze %dma_wait3A_32 : memref<1x128xi32, #tpu.memory_space<vmem>> -> memref<128xi32, #tpu.memory_space<vmem>>
        %dma_wait3A_34 = arith.constant 0 : i32
        %dma_wait3A_35 = arith.constant 0 : i32
        %dma_wait3A_36 = tpu.memref_slice %arg7[%dma_wait3A_34, %dma_wait3A_35] : memref<10240x16xf32, #tpu.memory_space<vmem_shared>> -> memref<10240x16xf32, #tpu.memory_space<vmem_shared>>
        tpu.wait_indirect_dma semaphore(%run_scoped3A : memref<!tpu.dma_semaphore, #tpu.memory_space<semaphore_mem>>) src(%arg6 : memref<128x16xf32, #tpu.memory_space<vmem>>) dst(%dma_wait3A_36 : memref<10240x16xf32, #tpu.memory_space<vmem_shared>>)
        tpu.yield
      }) : () -> ()
    }
    %scan3A_17 = arith.constant 80 : i32
    %barrier3A_18 = arith.constant 0 : index
    tpu.barrier barrier_id(%barrier3A_18)
    %mul3A_19 = arith.constant 640 : i32
    %mul3A_20 = arith.muli %arg1, %mul3A_19 : i32
    %mul3A_21 = arith.constant 10240 : i32
    %mul3A_22 = arith.muli %arg0, %mul3A_21 : i32
    %mul3A_23 = arith.constant 640 : i32
    %mul3A_24 = arith.muli %arg1, %mul3A_23 : i32
    %add3A_25 = arith.addi %mul3A_22, %mul3A_24 : i32
    "tpu.region"() ({
      %run_scoped3A = tpu.sem_alloc : memref<!tpu.dma_semaphore, #tpu.memory_space<semaphore_mem>>
      %dma_start3A = arith.constant 0 : i32
      %dma_start3A_26 = tpu.memref_slice %arg4[%add3A_25, %dma_start3A] : memref<20480x16xf32, #tpu.memory_space<hbm>> -> memref<640x16xf32, #tpu.memory_space<hbm>>
      %dma_start3A_27 = arith.constant 0 : i32
      %dma_start3A_28 = tpu.memref_slice %arg7[%mul3A_20, %dma_start3A_27] : memref<10240x16xf32, #tpu.memory_space<vmem_shared>> -> memref<640x16xf32, #tpu.memory_space<vmem_shared>>
      tpu.enqueue_dma source(%dma_start3A_28 : memref<640x16xf32, #tpu.memory_space<vmem_shared>>) target(%dma_start3A_26 : memref<640x16xf32, #tpu.memory_space<hbm>>) target_semaphore(%run_scoped3A : memref<!tpu.dma_semaphore, #tpu.memory_space<semaphore_mem>>)
      %dma_wait3A = arith.constant 0 : i32
      %dma_wait3A_29 = tpu.memref_slice %arg4[%add3A_25, %dma_wait3A] : memref<20480x16xf32, #tpu.memory_space<hbm>> -> memref<640x16xf32, #tpu.memory_space<hbm>>
      %dma_wait3A_30 = arith.constant 0 : i32
      %dma_wait3A_31 = tpu.memref_slice %arg7[%mul3A_20, %dma_wait3A_30] : memref<10240x16xf32, #tpu.memory_space<vmem_shared>> -> memref<640x16xf32, #tpu.memory_space<vmem_shared>>
      tpu.wait_dma2 semaphore(%run_scoped3A : memref<!tpu.dma_semaphore, #tpu.memory_space<semaphore_mem>>) src(%dma_wait3A_31 : memref<640x16xf32, #tpu.memory_space<vmem_shared>>) dst(%dma_wait3A_29 : memref<640x16xf32, #tpu.memory_space<hbm>>)
      tpu.yield
    }) : () -> ()
    return
  }
}

#map = affine_map<(d0, d1) -> (0, 0)>
module attributes {stable_mosaic.version = 14 : i64} {
  func.func @_sc_aggregate(%arg0: i32, %arg1: i32, %arg2: memref<10240x128xf32, #tpu.memory_space<hbm>>, %arg3: memref<2560x128xi32, #tpu.memory_space<hbm>>, %arg4: memref<2560x128xi32, #tpu.memory_space<hbm>>, %arg5: memref<10240x128xf32, #tpu.memory_space<hbm>>, %arg6: memref<20480x128xf32, #tpu.memory_space<hbm>>, %arg7: memref<40x128xi32, #tpu.memory_space<vmem>>, %arg8: memref<40x128xi32, #tpu.memory_space<vmem>>, %arg9: memref<128x128xf32, #tpu.memory_space<vmem>>, %arg10: memref<128x128xf32, #tpu.memory_space<vmem>>, %arg11: memref<10240x128xf32, #tpu.memory_space<vmem_shared>>, %arg12: memref<!tpu.dma_semaphore, #tpu.memory_space<semaphore_mem>>, %arg13: memref<!tpu.dma_semaphore, #tpu.memory_space<semaphore_mem>>) attributes {dimension_semantics = [#tpu.dimension_semantics<core_parallel>, #tpu.dimension_semantics<subcore_parallel>], iteration_bounds = array<i64: 2, 16>, scalar_prefetch = 0 : i64, scratch_operands = 7 : i64, tpu.core_type = #tpu.core_type<sc_vector_subcore>, window_params = [{transform_indices = #map}, {transform_indices = #map}, {transform_indices = #map}, {transform_indices = #map}, {transform_indices = #map}]} {
    %mul3A = arith.constant 2 : i32
    %mul3A_0 = arith.muli %arg1, %mul3A : i32
    %add3A = arith.addi %mul3A_0, %arg0 : i32
    %mul3A_1 = arith.constant 640 : i32
    %mul3A_2 = arith.muli %arg1, %mul3A_1 : i32
    %mul3A_3 = arith.constant 640 : i32
    %mul3A_4 = arith.muli %arg1, %mul3A_3 : i32
    "tpu.region"() ({
      %run_scoped3A = tpu.sem_alloc : memref<!tpu.dma_semaphore, #tpu.memory_space<semaphore_mem>>
      %dma_start3A_45 = arith.constant 0 : i32
      %dma_start3A_46 = tpu.memref_slice %arg11[%mul3A_4, %dma_start3A_45] : memref<10240x128xf32, #tpu.memory_space<vmem_shared>> -> memref<640x128xf32, #tpu.memory_space<vmem_shared>>
      %dma_start3A_47 = arith.constant 0 : i32
      %dma_start3A_48 = tpu.memref_slice %arg5[%mul3A_2, %dma_start3A_47] : memref<10240x128xf32, #tpu.memory_space<hbm>> -> memref<640x128xf32, #tpu.memory_space<hbm>>
      tpu.enqueue_dma source(%dma_start3A_48 : memref<640x128xf32, #tpu.memory_space<hbm>>) target(%dma_start3A_46 : memref<640x128xf32, #tpu.memory_space<vmem_shared>>) target_semaphore(%run_scoped3A : memref<!tpu.dma_semaphore, #tpu.memory_space<semaphore_mem>>)
      %dma_wait3A = arith.constant 0 : i32
      %dma_wait3A_49 = tpu.memref_slice %arg11[%mul3A_4, %dma_wait3A] : memref<10240x128xf32, #tpu.memory_space<vmem_shared>> -> memref<640x128xf32, #tpu.memory_space<vmem_shared>>
      %dma_wait3A_50 = arith.constant 0 : i32
      %dma_wait3A_51 = tpu.memref_slice %arg5[%mul3A_2, %dma_wait3A_50] : memref<10240x128xf32, #tpu.memory_space<hbm>> -> memref<640x128xf32, #tpu.memory_space<hbm>>
      tpu.wait_dma2 semaphore(%run_scoped3A : memref<!tpu.dma_semaphore, #tpu.memory_space<semaphore_mem>>) src(%dma_wait3A_51 : memref<640x128xf32, #tpu.memory_space<hbm>>) dst(%dma_wait3A_49 : memref<640x128xf32, #tpu.memory_space<vmem_shared>>)
      tpu.yield
    }) : () -> ()
    %barrier3A = arith.constant 0 : index
    tpu.barrier barrier_id(%barrier3A)
    %mul3A_5 = arith.constant 80 : i32
    %mul3A_6 = arith.muli %add3A, %mul3A_5 : i32
    %add3A_7 = arith.constant 0 : i32
    %add3A_8 = arith.addi %mul3A_6, %add3A_7 : i32
    "tpu.region"() ({
      %run_scoped3A = tpu.sem_alloc : memref<!tpu.dma_semaphore, #tpu.memory_space<semaphore_mem>>
      %dma_start3A_45 = arith.constant 0 : i32
      %dma_start3A_46 = tpu.memref_slice %arg3[%add3A_8, %dma_start3A_45] : memref<2560x128xi32, #tpu.memory_space<hbm>> -> memref<40x128xi32, #tpu.memory_space<hbm>>
      %dma_start3A_47 = arith.constant 0 : i32
      %dma_start3A_48 = tpu.memref_slice %arg3[%add3A_8, %dma_start3A_47] : memref<2560x128xi32, #tpu.memory_space<hbm>> -> memref<40x128xi32, #tpu.memory_space<hbm>>
      tpu.enqueue_dma source(%dma_start3A_48 : memref<40x128xi32, #tpu.memory_space<hbm>>) target(%arg7 : memref<40x128xi32, #tpu.memory_space<vmem>>) target_semaphore(%run_scoped3A : memref<!tpu.dma_semaphore, #tpu.memory_space<semaphore_mem>>)
      %dma_wait3A = arith.constant 0 : i32
      %dma_wait3A_49 = tpu.memref_slice %arg3[%add3A_8, %dma_wait3A] : memref<2560x128xi32, #tpu.memory_space<hbm>> -> memref<40x128xi32, #tpu.memory_space<hbm>>
      %dma_wait3A_50 = arith.constant 0 : i32
      %dma_wait3A_51 = tpu.memref_slice %arg3[%add3A_8, %dma_wait3A_50] : memref<2560x128xi32, #tpu.memory_space<hbm>> -> memref<40x128xi32, #tpu.memory_space<hbm>>
      tpu.wait_dma2 semaphore(%run_scoped3A : memref<!tpu.dma_semaphore, #tpu.memory_space<semaphore_mem>>) src(%dma_wait3A_51 : memref<40x128xi32, #tpu.memory_space<hbm>>) dst(%arg7 : memref<40x128xi32, #tpu.memory_space<vmem>>)
      tpu.yield
    }) : () -> ()
    "tpu.region"() ({
      %run_scoped3A = tpu.sem_alloc : memref<!tpu.dma_semaphore, #tpu.memory_space<semaphore_mem>>
      %dma_start3A_45 = arith.constant 0 : i32
      %dma_start3A_46 = tpu.memref_slice %arg4[%add3A_8, %dma_start3A_45] : memref<2560x128xi32, #tpu.memory_space<hbm>> -> memref<40x128xi32, #tpu.memory_space<hbm>>
      %dma_start3A_47 = arith.constant 0 : i32
      %dma_start3A_48 = tpu.memref_slice %arg4[%add3A_8, %dma_start3A_47] : memref<2560x128xi32, #tpu.memory_space<hbm>> -> memref<40x128xi32, #tpu.memory_space<hbm>>
      tpu.enqueue_dma source(%dma_start3A_48 : memref<40x128xi32, #tpu.memory_space<hbm>>) target(%arg8 : memref<40x128xi32, #tpu.memory_space<vmem>>) target_semaphore(%run_scoped3A : memref<!tpu.dma_semaphore, #tpu.memory_space<semaphore_mem>>)
      %dma_wait3A = arith.constant 0 : i32
      %dma_wait3A_49 = tpu.memref_slice %arg4[%add3A_8, %dma_wait3A] : memref<2560x128xi32, #tpu.memory_space<hbm>> -> memref<40x128xi32, #tpu.memory_space<hbm>>
      %dma_wait3A_50 = arith.constant 0 : i32
      %dma_wait3A_51 = tpu.memref_slice %arg4[%add3A_8, %dma_wait3A_50] : memref<2560x128xi32, #tpu.memory_space<hbm>> -> memref<40x128xi32, #tpu.memory_space<hbm>>
      tpu.wait_dma2 semaphore(%run_scoped3A : memref<!tpu.dma_semaphore, #tpu.memory_space<semaphore_mem>>) src(%dma_wait3A_51 : memref<40x128xi32, #tpu.memory_space<hbm>>) dst(%arg8 : memref<40x128xi32, #tpu.memory_space<vmem>>)
      tpu.yield
    }) : () -> ()
    %dma_start3A = arith.constant 0 : i32
    %dma_start3A_9 = arith.constant 0 : i32
    %dma_start3A_10 = tpu.memref_slice %arg7[%dma_start3A, %dma_start3A_9] : memref<40x128xi32, #tpu.memory_space<vmem>> -> memref<1x128xi32, #tpu.memory_space<vmem>>
    %dma_start3A_11 = tpu.memref_squeeze %dma_start3A_10 : memref<1x128xi32, #tpu.memory_space<vmem>> -> memref<128xi32, #tpu.memory_space<vmem>>
    %dma_start3A_12 = arith.constant 0 : i32
    %dma_start3A_13 = arith.constant 0 : i32
    %dma_start3A_14 = tpu.memref_slice %arg2[%dma_start3A_12, %dma_start3A_13] : memref<10240x128xf32, #tpu.memory_space<hbm>> -> memref<10240x128xf32, #tpu.memory_space<hbm>>
    tpu.enqueue_indirect_dma source(%dma_start3A_14 : memref<10240x128xf32, #tpu.memory_space<hbm>>) target(%arg9 : memref<128x128xf32, #tpu.memory_space<vmem>>) offsets(%dma_start3A_11 : memref<128xi32, #tpu.memory_space<vmem>>) semaphore(%arg12 : memref<!tpu.dma_semaphore, #tpu.memory_space<semaphore_mem>>)
    %scan3A = arith.constant 0 : i32
    %scan3A_15 = arith.constant 0 : i32
    %scan3A_16 = arith.constant 20 : i32
    %scan3A_17 = arith.addi %scan3A_15, %scan3A_16 : i32
    %scan3A_18 = arith.constant 1 : i32
    scf.for %scan3A_45 = %scan3A_15 to %scan3A_17 step %scan3A_18  : i32 {
      %mul3A_46 = arith.constant 2 : i32
      %mul3A_47 = arith.muli %mul3A_46, %scan3A_45 : i32
      %add3A_48 = arith.constant 1 : i32
      %add3A_49 = arith.addi %mul3A_47, %add3A_48 : i32
      %dma_start3A_50 = arith.constant 0 : i32
      %dma_start3A_51 = tpu.memref_slice %arg7[%add3A_49, %dma_start3A_50] : memref<40x128xi32, #tpu.memory_space<vmem>> -> memref<1x128xi32, #tpu.memory_space<vmem>>
      %dma_start3A_52 = tpu.memref_squeeze %dma_start3A_51 : memref<1x128xi32, #tpu.memory_space<vmem>> -> memref<128xi32, #tpu.memory_space<vmem>>
      %dma_start3A_53 = arith.constant 0 : i32
      %dma_start3A_54 = arith.constant 0 : i32
      %dma_start3A_55 = tpu.memref_slice %arg2[%dma_start3A_53, %dma_start3A_54] : memref<10240x128xf32, #tpu.memory_space<hbm>> -> memref<10240x128xf32, #tpu.memory_space<hbm>>
      tpu.enqueue_indirect_dma source(%dma_start3A_55 : memref<10240x128xf32, #tpu.memory_space<hbm>>) target(%arg10 : memref<128x128xf32, #tpu.memory_space<vmem>>) offsets(%dma_start3A_52 : memref<128xi32, #tpu.memory_space<vmem>>) semaphore(%arg13 : memref<!tpu.dma_semaphore, #tpu.memory_space<semaphore_mem>>)
      %dma_wait3A = arith.constant 0 : i32
      %dma_wait3A_56 = tpu.memref_slice %arg7[%mul3A_47, %dma_wait3A] : memref<40x128xi32, #tpu.memory_space<vmem>> -> memref<1x128xi32, #tpu.memory_space<vmem>>
      %dma_wait3A_57 = tpu.memref_squeeze %dma_wait3A_56 : memref<1x128xi32, #tpu.memory_space<vmem>> -> memref<128xi32, #tpu.memory_space<vmem>>
      %dma_wait3A_58 = arith.constant 0 : i32
      %dma_wait3A_59 = arith.constant 0 : i32
      %dma_wait3A_60 = tpu.memref_slice %arg2[%dma_wait3A_58, %dma_wait3A_59] : memref<10240x128xf32, #tpu.memory_space<hbm>> -> memref<10240x128xf32, #tpu.memory_space<hbm>>
      tpu.wait_indirect_dma semaphore(%arg12 : memref<!tpu.dma_semaphore, #tpu.memory_space<semaphore_mem>>) src(%dma_wait3A_60 : memref<10240x128xf32, #tpu.memory_space<hbm>>) dst(%arg9 : memref<128x128xf32, #tpu.memory_space<vmem>>)
      "tpu.region"() ({
        %run_scoped3A = tpu.sem_alloc : memref<!tpu.dma_semaphore, #tpu.memory_space<semaphore_mem>>
        %dma_start3A_75 = arith.constant 0 : i32
        %dma_start3A_76 = tpu.memref_slice %arg8[%mul3A_47, %dma_start3A_75] : memref<40x128xi32, #tpu.memory_space<vmem>> -> memref<1x128xi32, #tpu.memory_space<vmem>>
        %dma_start3A_77 = tpu.memref_squeeze %dma_start3A_76 : memref<1x128xi32, #tpu.memory_space<vmem>> -> memref<128xi32, #tpu.memory_space<vmem>>
        %dma_start3A_78 = arith.constant 0 : i32
        %dma_start3A_79 = arith.constant 0 : i32
        %dma_start3A_80 = tpu.memref_slice %arg11[%dma_start3A_78, %dma_start3A_79] : memref<10240x128xf32, #tpu.memory_space<vmem_shared>> -> memref<10240x128xf32, #tpu.memory_space<vmem_shared>>
        tpu.enqueue_indirect_dma source(%arg9 : memref<128x128xf32, #tpu.memory_space<vmem>>) target(%dma_start3A_80 : memref<10240x128xf32, #tpu.memory_space<vmem_shared>>) offsets(%dma_start3A_77 : memref<128xi32, #tpu.memory_space<vmem>>) semaphore(%run_scoped3A : memref<!tpu.dma_semaphore, #tpu.memory_space<semaphore_mem>>) {add = true}
        %dma_wait3A_81 = arith.constant 0 : i32
        %dma_wait3A_82 = tpu.memref_slice %arg8[%mul3A_47, %dma_wait3A_81] : memref<40x128xi32, #tpu.memory_space<vmem>> -> memref<1x128xi32, #tpu.memory_space<vmem>>
        %dma_wait3A_83 = tpu.memref_squeeze %dma_wait3A_82 : memref<1x128xi32, #tpu.memory_space<vmem>> -> memref<128xi32, #tpu.memory_space<vmem>>
        %dma_wait3A_84 = arith.constant 0 : i32
        %dma_wait3A_85 = arith.constant 0 : i32
        %dma_wait3A_86 = tpu.memref_slice %arg11[%dma_wait3A_84, %dma_wait3A_85] : memref<10240x128xf32, #tpu.memory_space<vmem_shared>> -> memref<10240x128xf32, #tpu.memory_space<vmem_shared>>
        tpu.wait_indirect_dma semaphore(%run_scoped3A : memref<!tpu.dma_semaphore, #tpu.memory_space<semaphore_mem>>) src(%arg9 : memref<128x128xf32, #tpu.memory_space<vmem>>) dst(%dma_wait3A_86 : memref<10240x128xf32, #tpu.memory_space<vmem_shared>>)
        tpu.yield
      }) : () -> ()
      %add3A_61 = arith.constant 1 : i32
      %add3A_62 = arith.addi %scan3A_45, %add3A_61 : i32
      %lt3A = arith.constant 20 : i32
      %lt3A_63 = arith.cmpi slt, %add3A_62, %lt3A : i32
      %convert_element_type3A = arith.extui %lt3A_63 : i1 to i32
      %cond3A = arith.constant 0 : i32
      %cond3A_64 = arith.cmpi ne, %convert_element_type3A, %cond3A : i32
      scf.if %cond3A_64 {
        %add3A_75 = arith.constant 2 : i32
        %add3A_76 = arith.addi %mul3A_47, %add3A_75 : i32
        %dma_start3A_77 = arith.constant 0 : i32
        %dma_start3A_78 = tpu.memref_slice %arg7[%add3A_76, %dma_start3A_77] : memref<40x128xi32, #tpu.memory_space<vmem>> -> memref<1x128xi32, #tpu.memory_space<vmem>>
        %dma_start3A_79 = tpu.memref_squeeze %dma_start3A_78 : memref<1x128xi32, #tpu.memory_space<vmem>> -> memref<128xi32, #tpu.memory_space<vmem>>
        %dma_start3A_80 = arith.constant 0 : i32
        %dma_start3A_81 = arith.constant 0 : i32
        %dma_start3A_82 = tpu.memref_slice %arg2[%dma_start3A_80, %dma_start3A_81] : memref<10240x128xf32, #tpu.memory_space<hbm>> -> memref<10240x128xf32, #tpu.memory_space<hbm>>
        tpu.enqueue_indirect_dma source(%dma_start3A_82 : memref<10240x128xf32, #tpu.memory_space<hbm>>) target(%arg9 : memref<128x128xf32, #tpu.memory_space<vmem>>) offsets(%dma_start3A_79 : memref<128xi32, #tpu.memory_space<vmem>>) semaphore(%arg12 : memref<!tpu.dma_semaphore, #tpu.memory_space<semaphore_mem>>)
      } else {
      }
      %add3A_65 = arith.constant 1 : i32
      %add3A_66 = arith.addi %mul3A_47, %add3A_65 : i32
      %dma_wait3A_67 = arith.constant 0 : i32
      %dma_wait3A_68 = tpu.memref_slice %arg7[%add3A_66, %dma_wait3A_67] : memref<40x128xi32, #tpu.memory_space<vmem>> -> memref<1x128xi32, #tpu.memory_space<vmem>>
      %dma_wait3A_69 = tpu.memref_squeeze %dma_wait3A_68 : memref<1x128xi32, #tpu.memory_space<vmem>> -> memref<128xi32, #tpu.memory_space<vmem>>
      %dma_wait3A_70 = arith.constant 0 : i32
      %dma_wait3A_71 = arith.constant 0 : i32
      %dma_wait3A_72 = tpu.memref_slice %arg2[%dma_wait3A_70, %dma_wait3A_71] : memref<10240x128xf32, #tpu.memory_space<hbm>> -> memref<10240x128xf32, #tpu.memory_space<hbm>>
      tpu.wait_indirect_dma semaphore(%arg13 : memref<!tpu.dma_semaphore, #tpu.memory_space<semaphore_mem>>) src(%dma_wait3A_72 : memref<10240x128xf32, #tpu.memory_space<hbm>>) dst(%arg10 : memref<128x128xf32, #tpu.memory_space<vmem>>)
      %add3A_73 = arith.constant 1 : i32
      %add3A_74 = arith.addi %mul3A_47, %add3A_73 : i32
      "tpu.region"() ({
        %run_scoped3A = tpu.sem_alloc : memref<!tpu.dma_semaphore, #tpu.memory_space<semaphore_mem>>
        %dma_start3A_75 = arith.constant 0 : i32
        %dma_start3A_76 = tpu.memref_slice %arg8[%add3A_74, %dma_start3A_75] : memref<40x128xi32, #tpu.memory_space<vmem>> -> memref<1x128xi32, #tpu.memory_space<vmem>>
        %dma_start3A_77 = tpu.memref_squeeze %dma_start3A_76 : memref<1x128xi32, #tpu.memory_space<vmem>> -> memref<128xi32, #tpu.memory_space<vmem>>
        %dma_start3A_78 = arith.constant 0 : i32
        %dma_start3A_79 = arith.constant 0 : i32
        %dma_start3A_80 = tpu.memref_slice %arg11[%dma_start3A_78, %dma_start3A_79] : memref<10240x128xf32, #tpu.memory_space<vmem_shared>> -> memref<10240x128xf32, #tpu.memory_space<vmem_shared>>
        tpu.enqueue_indirect_dma source(%arg10 : memref<128x128xf32, #tpu.memory_space<vmem>>) target(%dma_start3A_80 : memref<10240x128xf32, #tpu.memory_space<vmem_shared>>) offsets(%dma_start3A_77 : memref<128xi32, #tpu.memory_space<vmem>>) semaphore(%run_scoped3A : memref<!tpu.dma_semaphore, #tpu.memory_space<semaphore_mem>>) {add = true}
        %dma_wait3A_81 = arith.constant 0 : i32
        %dma_wait3A_82 = tpu.memref_slice %arg8[%add3A_74, %dma_wait3A_81] : memref<40x128xi32, #tpu.memory_space<vmem>> -> memref<1x128xi32, #tpu.memory_space<vmem>>
        %dma_wait3A_83 = tpu.memref_squeeze %dma_wait3A_82 : memref<1x128xi32, #tpu.memory_space<vmem>> -> memref<128xi32, #tpu.memory_space<vmem>>
        %dma_wait3A_84 = arith.constant 0 : i32
        %dma_wait3A_85 = arith.constant 0 : i32
        %dma_wait3A_86 = tpu.memref_slice %arg11[%dma_wait3A_84, %dma_wait3A_85] : memref<10240x128xf32, #tpu.memory_space<vmem_shared>> -> memref<10240x128xf32, #tpu.memory_space<vmem_shared>>
        tpu.wait_indirect_dma semaphore(%run_scoped3A : memref<!tpu.dma_semaphore, #tpu.memory_space<semaphore_mem>>) src(%arg10 : memref<128x128xf32, #tpu.memory_space<vmem>>) dst(%dma_wait3A_86 : memref<10240x128xf32, #tpu.memory_space<vmem_shared>>)
        tpu.yield
      }) : () -> ()
    }
    %scan3A_19 = arith.constant 20 : i32
    %mul3A_20 = arith.constant 80 : i32
    %mul3A_21 = arith.muli %add3A, %mul3A_20 : i32
    %add3A_22 = arith.constant 40 : i32
    %add3A_23 = arith.addi %mul3A_21, %add3A_22 : i32
    "tpu.region"() ({
      %run_scoped3A = tpu.sem_alloc : memref<!tpu.dma_semaphore, #tpu.memory_space<semaphore_mem>>
      %dma_start3A_45 = arith.constant 0 : i32
      %dma_start3A_46 = tpu.memref_slice %arg3[%add3A_23, %dma_start3A_45] : memref<2560x128xi32, #tpu.memory_space<hbm>> -> memref<40x128xi32, #tpu.memory_space<hbm>>
      %dma_start3A_47 = arith.constant 0 : i32
      %dma_start3A_48 = tpu.memref_slice %arg3[%add3A_23, %dma_start3A_47] : memref<2560x128xi32, #tpu.memory_space<hbm>> -> memref<40x128xi32, #tpu.memory_space<hbm>>
      tpu.enqueue_dma source(%dma_start3A_48 : memref<40x128xi32, #tpu.memory_space<hbm>>) target(%arg7 : memref<40x128xi32, #tpu.memory_space<vmem>>) target_semaphore(%run_scoped3A : memref<!tpu.dma_semaphore, #tpu.memory_space<semaphore_mem>>)
      %dma_wait3A = arith.constant 0 : i32
      %dma_wait3A_49 = tpu.memref_slice %arg3[%add3A_23, %dma_wait3A] : memref<2560x128xi32, #tpu.memory_space<hbm>> -> memref<40x128xi32, #tpu.memory_space<hbm>>
      %dma_wait3A_50 = arith.constant 0 : i32
      %dma_wait3A_51 = tpu.memref_slice %arg3[%add3A_23, %dma_wait3A_50] : memref<2560x128xi32, #tpu.memory_space<hbm>> -> memref<40x128xi32, #tpu.memory_space<hbm>>
      tpu.wait_dma2 semaphore(%run_scoped3A : memref<!tpu.dma_semaphore, #tpu.memory_space<semaphore_mem>>) src(%dma_wait3A_51 : memref<40x128xi32, #tpu.memory_space<hbm>>) dst(%arg7 : memref<40x128xi32, #tpu.memory_space<vmem>>)
      tpu.yield
    }) : () -> ()
    "tpu.region"() ({
      %run_scoped3A = tpu.sem_alloc : memref<!tpu.dma_semaphore, #tpu.memory_space<semaphore_mem>>
      %dma_start3A_45 = arith.constant 0 : i32
      %dma_start3A_46 = tpu.memref_slice %arg4[%add3A_23, %dma_start3A_45] : memref<2560x128xi32, #tpu.memory_space<hbm>> -> memref<40x128xi32, #tpu.memory_space<hbm>>
      %dma_start3A_47 = arith.constant 0 : i32
      %dma_start3A_48 = tpu.memref_slice %arg4[%add3A_23, %dma_start3A_47] : memref<2560x128xi32, #tpu.memory_space<hbm>> -> memref<40x128xi32, #tpu.memory_space<hbm>>
      tpu.enqueue_dma source(%dma_start3A_48 : memref<40x128xi32, #tpu.memory_space<hbm>>) target(%arg8 : memref<40x128xi32, #tpu.memory_space<vmem>>) target_semaphore(%run_scoped3A : memref<!tpu.dma_semaphore, #tpu.memory_space<semaphore_mem>>)
      %dma_wait3A = arith.constant 0 : i32
      %dma_wait3A_49 = tpu.memref_slice %arg4[%add3A_23, %dma_wait3A] : memref<2560x128xi32, #tpu.memory_space<hbm>> -> memref<40x128xi32, #tpu.memory_space<hbm>>
      %dma_wait3A_50 = arith.constant 0 : i32
      %dma_wait3A_51 = tpu.memref_slice %arg4[%add3A_23, %dma_wait3A_50] : memref<2560x128xi32, #tpu.memory_space<hbm>> -> memref<40x128xi32, #tpu.memory_space<hbm>>
      tpu.wait_dma2 semaphore(%run_scoped3A : memref<!tpu.dma_semaphore, #tpu.memory_space<semaphore_mem>>) src(%dma_wait3A_51 : memref<40x128xi32, #tpu.memory_space<hbm>>) dst(%arg8 : memref<40x128xi32, #tpu.memory_space<vmem>>)
      tpu.yield
    }) : () -> ()
    %dma_start3A_24 = arith.constant 0 : i32
    %dma_start3A_25 = arith.constant 0 : i32
    %dma_start3A_26 = tpu.memref_slice %arg7[%dma_start3A_24, %dma_start3A_25] : memref<40x128xi32, #tpu.memory_space<vmem>> -> memref<1x128xi32, #tpu.memory_space<vmem>>
    %dma_start3A_27 = tpu.memref_squeeze %dma_start3A_26 : memref<1x128xi32, #tpu.memory_space<vmem>> -> memref<128xi32, #tpu.memory_space<vmem>>
    %dma_start3A_28 = arith.constant 0 : i32
    %dma_start3A_29 = arith.constant 0 : i32
    %dma_start3A_30 = tpu.memref_slice %arg2[%dma_start3A_28, %dma_start3A_29] : memref<10240x128xf32, #tpu.memory_space<hbm>> -> memref<10240x128xf32, #tpu.memory_space<hbm>>
    tpu.enqueue_indirect_dma source(%dma_start3A_30 : memref<10240x128xf32, #tpu.memory_space<hbm>>) target(%arg9 : memref<128x128xf32, #tpu.memory_space<vmem>>) offsets(%dma_start3A_27 : memref<128xi32, #tpu.memory_space<vmem>>) semaphore(%arg12 : memref<!tpu.dma_semaphore, #tpu.memory_space<semaphore_mem>>)
    %scan3A_31 = arith.constant 0 : i32
    %scan3A_32 = arith.constant 0 : i32
    %scan3A_33 = arith.constant 20 : i32
    %scan3A_34 = arith.addi %scan3A_32, %scan3A_33 : i32
    %scan3A_35 = arith.constant 1 : i32
    scf.for %scan3A_45 = %scan3A_32 to %scan3A_34 step %scan3A_35  : i32 {
      %mul3A_46 = arith.constant 2 : i32
      %mul3A_47 = arith.muli %mul3A_46, %scan3A_45 : i32
      %add3A_48 = arith.constant 1 : i32
      %add3A_49 = arith.addi %mul3A_47, %add3A_48 : i32
      %dma_start3A_50 = arith.constant 0 : i32
      %dma_start3A_51 = tpu.memref_slice %arg7[%add3A_49, %dma_start3A_50] : memref<40x128xi32, #tpu.memory_space<vmem>> -> memref<1x128xi32, #tpu.memory_space<vmem>>
      %dma_start3A_52 = tpu.memref_squeeze %dma_start3A_51 : memref<1x128xi32, #tpu.memory_space<vmem>> -> memref<128xi32, #tpu.memory_space<vmem>>
      %dma_start3A_53 = arith.constant 0 : i32
      %dma_start3A_54 = arith.constant 0 : i32
      %dma_start3A_55 = tpu.memref_slice %arg2[%dma_start3A_53, %dma_start3A_54] : memref<10240x128xf32, #tpu.memory_space<hbm>> -> memref<10240x128xf32, #tpu.memory_space<hbm>>
      tpu.enqueue_indirect_dma source(%dma_start3A_55 : memref<10240x128xf32, #tpu.memory_space<hbm>>) target(%arg10 : memref<128x128xf32, #tpu.memory_space<vmem>>) offsets(%dma_start3A_52 : memref<128xi32, #tpu.memory_space<vmem>>) semaphore(%arg13 : memref<!tpu.dma_semaphore, #tpu.memory_space<semaphore_mem>>)
      %dma_wait3A = arith.constant 0 : i32
      %dma_wait3A_56 = tpu.memref_slice %arg7[%mul3A_47, %dma_wait3A] : memref<40x128xi32, #tpu.memory_space<vmem>> -> memref<1x128xi32, #tpu.memory_space<vmem>>
      %dma_wait3A_57 = tpu.memref_squeeze %dma_wait3A_56 : memref<1x128xi32, #tpu.memory_space<vmem>> -> memref<128xi32, #tpu.memory_space<vmem>>
      %dma_wait3A_58 = arith.constant 0 : i32
      %dma_wait3A_59 = arith.constant 0 : i32
      %dma_wait3A_60 = tpu.memref_slice %arg2[%dma_wait3A_58, %dma_wait3A_59] : memref<10240x128xf32, #tpu.memory_space<hbm>> -> memref<10240x128xf32, #tpu.memory_space<hbm>>
      tpu.wait_indirect_dma semaphore(%arg12 : memref<!tpu.dma_semaphore, #tpu.memory_space<semaphore_mem>>) src(%dma_wait3A_60 : memref<10240x128xf32, #tpu.memory_space<hbm>>) dst(%arg9 : memref<128x128xf32, #tpu.memory_space<vmem>>)
      "tpu.region"() ({
        %run_scoped3A = tpu.sem_alloc : memref<!tpu.dma_semaphore, #tpu.memory_space<semaphore_mem>>
        %dma_start3A_75 = arith.constant 0 : i32
        %dma_start3A_76 = tpu.memref_slice %arg8[%mul3A_47, %dma_start3A_75] : memref<40x128xi32, #tpu.memory_space<vmem>> -> memref<1x128xi32, #tpu.memory_space<vmem>>
        %dma_start3A_77 = tpu.memref_squeeze %dma_start3A_76 : memref<1x128xi32, #tpu.memory_space<vmem>> -> memref<128xi32, #tpu.memory_space<vmem>>
        %dma_start3A_78 = arith.constant 0 : i32
        %dma_start3A_79 = arith.constant 0 : i32
        %dma_start3A_80 = tpu.memref_slice %arg11[%dma_start3A_78, %dma_start3A_79] : memref<10240x128xf32, #tpu.memory_space<vmem_shared>> -> memref<10240x128xf32, #tpu.memory_space<vmem_shared>>
        tpu.enqueue_indirect_dma source(%arg9 : memref<128x128xf32, #tpu.memory_space<vmem>>) target(%dma_start3A_80 : memref<10240x128xf32, #tpu.memory_space<vmem_shared>>) offsets(%dma_start3A_77 : memref<128xi32, #tpu.memory_space<vmem>>) semaphore(%run_scoped3A : memref<!tpu.dma_semaphore, #tpu.memory_space<semaphore_mem>>) {add = true}
        %dma_wait3A_81 = arith.constant 0 : i32
        %dma_wait3A_82 = tpu.memref_slice %arg8[%mul3A_47, %dma_wait3A_81] : memref<40x128xi32, #tpu.memory_space<vmem>> -> memref<1x128xi32, #tpu.memory_space<vmem>>
        %dma_wait3A_83 = tpu.memref_squeeze %dma_wait3A_82 : memref<1x128xi32, #tpu.memory_space<vmem>> -> memref<128xi32, #tpu.memory_space<vmem>>
        %dma_wait3A_84 = arith.constant 0 : i32
        %dma_wait3A_85 = arith.constant 0 : i32
        %dma_wait3A_86 = tpu.memref_slice %arg11[%dma_wait3A_84, %dma_wait3A_85] : memref<10240x128xf32, #tpu.memory_space<vmem_shared>> -> memref<10240x128xf32, #tpu.memory_space<vmem_shared>>
        tpu.wait_indirect_dma semaphore(%run_scoped3A : memref<!tpu.dma_semaphore, #tpu.memory_space<semaphore_mem>>) src(%arg9 : memref<128x128xf32, #tpu.memory_space<vmem>>) dst(%dma_wait3A_86 : memref<10240x128xf32, #tpu.memory_space<vmem_shared>>)
        tpu.yield
      }) : () -> ()
      %add3A_61 = arith.constant 1 : i32
      %add3A_62 = arith.addi %scan3A_45, %add3A_61 : i32
      %lt3A = arith.constant 20 : i32
      %lt3A_63 = arith.cmpi slt, %add3A_62, %lt3A : i32
      %convert_element_type3A = arith.extui %lt3A_63 : i1 to i32
      %cond3A = arith.constant 0 : i32
      %cond3A_64 = arith.cmpi ne, %convert_element_type3A, %cond3A : i32
      scf.if %cond3A_64 {
        %add3A_75 = arith.constant 2 : i32
        %add3A_76 = arith.addi %mul3A_47, %add3A_75 : i32
        %dma_start3A_77 = arith.constant 0 : i32
        %dma_start3A_78 = tpu.memref_slice %arg7[%add3A_76, %dma_start3A_77] : memref<40x128xi32, #tpu.memory_space<vmem>> -> memref<1x128xi32, #tpu.memory_space<vmem>>
        %dma_start3A_79 = tpu.memref_squeeze %dma_start3A_78 : memref<1x128xi32, #tpu.memory_space<vmem>> -> memref<128xi32, #tpu.memory_space<vmem>>
        %dma_start3A_80 = arith.constant 0 : i32
        %dma_start3A_81 = arith.constant 0 : i32
        %dma_start3A_82 = tpu.memref_slice %arg2[%dma_start3A_80, %dma_start3A_81] : memref<10240x128xf32, #tpu.memory_space<hbm>> -> memref<10240x128xf32, #tpu.memory_space<hbm>>
        tpu.enqueue_indirect_dma source(%dma_start3A_82 : memref<10240x128xf32, #tpu.memory_space<hbm>>) target(%arg9 : memref<128x128xf32, #tpu.memory_space<vmem>>) offsets(%dma_start3A_79 : memref<128xi32, #tpu.memory_space<vmem>>) semaphore(%arg12 : memref<!tpu.dma_semaphore, #tpu.memory_space<semaphore_mem>>)
      } else {
      }
      %add3A_65 = arith.constant 1 : i32
      %add3A_66 = arith.addi %mul3A_47, %add3A_65 : i32
      %dma_wait3A_67 = arith.constant 0 : i32
      %dma_wait3A_68 = tpu.memref_slice %arg7[%add3A_66, %dma_wait3A_67] : memref<40x128xi32, #tpu.memory_space<vmem>> -> memref<1x128xi32, #tpu.memory_space<vmem>>
      %dma_wait3A_69 = tpu.memref_squeeze %dma_wait3A_68 : memref<1x128xi32, #tpu.memory_space<vmem>> -> memref<128xi32, #tpu.memory_space<vmem>>
      %dma_wait3A_70 = arith.constant 0 : i32
      %dma_wait3A_71 = arith.constant 0 : i32
      %dma_wait3A_72 = tpu.memref_slice %arg2[%dma_wait3A_70, %dma_wait3A_71] : memref<10240x128xf32, #tpu.memory_space<hbm>> -> memref<10240x128xf32, #tpu.memory_space<hbm>>
      tpu.wait_indirect_dma semaphore(%arg13 : memref<!tpu.dma_semaphore, #tpu.memory_space<semaphore_mem>>) src(%dma_wait3A_72 : memref<10240x128xf32, #tpu.memory_space<hbm>>) dst(%arg10 : memref<128x128xf32, #tpu.memory_space<vmem>>)
      %add3A_73 = arith.constant 1 : i32
      %add3A_74 = arith.addi %mul3A_47, %add3A_73 : i32
      "tpu.region"() ({
        %run_scoped3A = tpu.sem_alloc : memref<!tpu.dma_semaphore, #tpu.memory_space<semaphore_mem>>
        %dma_start3A_75 = arith.constant 0 : i32
        %dma_start3A_76 = tpu.memref_slice %arg8[%add3A_74, %dma_start3A_75] : memref<40x128xi32, #tpu.memory_space<vmem>> -> memref<1x128xi32, #tpu.memory_space<vmem>>
        %dma_start3A_77 = tpu.memref_squeeze %dma_start3A_76 : memref<1x128xi32, #tpu.memory_space<vmem>> -> memref<128xi32, #tpu.memory_space<vmem>>
        %dma_start3A_78 = arith.constant 0 : i32
        %dma_start3A_79 = arith.constant 0 : i32
        %dma_start3A_80 = tpu.memref_slice %arg11[%dma_start3A_78, %dma_start3A_79] : memref<10240x128xf32, #tpu.memory_space<vmem_shared>> -> memref<10240x128xf32, #tpu.memory_space<vmem_shared>>
        tpu.enqueue_indirect_dma source(%arg10 : memref<128x128xf32, #tpu.memory_space<vmem>>) target(%dma_start3A_80 : memref<10240x128xf32, #tpu.memory_space<vmem_shared>>) offsets(%dma_start3A_77 : memref<128xi32, #tpu.memory_space<vmem>>) semaphore(%run_scoped3A : memref<!tpu.dma_semaphore, #tpu.memory_space<semaphore_mem>>) {add = true}
        %dma_wait3A_81 = arith.constant 0 : i32
        %dma_wait3A_82 = tpu.memref_slice %arg8[%add3A_74, %dma_wait3A_81] : memref<40x128xi32, #tpu.memory_space<vmem>> -> memref<1x128xi32, #tpu.memory_space<vmem>>
        %dma_wait3A_83 = tpu.memref_squeeze %dma_wait3A_82 : memref<1x128xi32, #tpu.memory_space<vmem>> -> memref<128xi32, #tpu.memory_space<vmem>>
        %dma_wait3A_84 = arith.constant 0 : i32
        %dma_wait3A_85 = arith.constant 0 : i32
        %dma_wait3A_86 = tpu.memref_slice %arg11[%dma_wait3A_84, %dma_wait3A_85] : memref<10240x128xf32, #tpu.memory_space<vmem_shared>> -> memref<10240x128xf32, #tpu.memory_space<vmem_shared>>
        tpu.wait_indirect_dma semaphore(%run_scoped3A : memref<!tpu.dma_semaphore, #tpu.memory_space<semaphore_mem>>) src(%arg10 : memref<128x128xf32, #tpu.memory_space<vmem>>) dst(%dma_wait3A_86 : memref<10240x128xf32, #tpu.memory_space<vmem_shared>>)
        tpu.yield
      }) : () -> ()
    }
    %scan3A_36 = arith.constant 20 : i32
    %barrier3A_37 = arith.constant 0 : index
    tpu.barrier barrier_id(%barrier3A_37)
    %mul3A_38 = arith.constant 640 : i32
    %mul3A_39 = arith.muli %arg1, %mul3A_38 : i32
    %mul3A_40 = arith.constant 10240 : i32
    %mul3A_41 = arith.muli %arg0, %mul3A_40 : i32
    %mul3A_42 = arith.constant 640 : i32
    %mul3A_43 = arith.muli %arg1, %mul3A_42 : i32
    %add3A_44 = arith.addi %mul3A_41, %mul3A_43 : i32
    "tpu.region"() ({
      %run_scoped3A = tpu.sem_alloc : memref<!tpu.dma_semaphore, #tpu.memory_space<semaphore_mem>>
      %dma_start3A_45 = arith.constant 0 : i32
      %dma_start3A_46 = tpu.memref_slice %arg6[%add3A_44, %dma_start3A_45] : memref<20480x128xf32, #tpu.memory_space<hbm>> -> memref<640x128xf32, #tpu.memory_space<hbm>>
      %dma_start3A_47 = arith.constant 0 : i32
      %dma_start3A_48 = tpu.memref_slice %arg11[%mul3A_39, %dma_start3A_47] : memref<10240x128xf32, #tpu.memory_space<vmem_shared>> -> memref<640x128xf32, #tpu.memory_space<vmem_shared>>
      tpu.enqueue_dma source(%dma_start3A_48 : memref<640x128xf32, #tpu.memory_space<vmem_shared>>) target(%dma_start3A_46 : memref<640x128xf32, #tpu.memory_space<hbm>>) target_semaphore(%run_scoped3A : memref<!tpu.dma_semaphore, #tpu.memory_space<semaphore_mem>>)
      %dma_wait3A = arith.constant 0 : i32
      %dma_wait3A_49 = tpu.memref_slice %arg6[%add3A_44, %dma_wait3A] : memref<20480x128xf32, #tpu.memory_space<hbm>> -> memref<640x128xf32, #tpu.memory_space<hbm>>
      %dma_wait3A_50 = arith.constant 0 : i32
      %dma_wait3A_51 = tpu.memref_slice %arg11[%mul3A_39, %dma_wait3A_50] : memref<10240x128xf32, #tpu.memory_space<vmem_shared>> -> memref<640x128xf32, #tpu.memory_space<vmem_shared>>
      tpu.wait_dma2 semaphore(%run_scoped3A : memref<!tpu.dma_semaphore, #tpu.memory_space<semaphore_mem>>) src(%dma_wait3A_51 : memref<640x128xf32, #tpu.memory_space<vmem_shared>>) dst(%dma_wait3A_49 : memref<640x128xf32, #tpu.memory_space<hbm>>)
      tpu.yield
    }) : () -> ()
    return
  }
}

module attributes {stable_mosaic.version = 14 : i64} {
  func.func @_tc_g1_body(%arg0: i32, %arg1: memref<512x128xf32, #tpu.memory_space<vmem>>, %arg2: memref<128x128xf32, #tpu.memory_space<vmem>>, %arg3: memref<512x16xf32, #tpu.memory_space<vmem>>, %arg4: memref<512x16xf32, #tpu.memory_space<vmem>>, %arg5: memref<512x128xf32, #tpu.memory_space<vmem>>) attributes {dimension_semantics = [#tpu.dimension_semantics<arbitrary>], iteration_bounds = array<i64: 20>, scalar_prefetch = 0 : i64, scratch_operands = 0 : i64, tpu.core_type = #tpu.core_type<tc>, window_params = [{transform_indices = @transform_0, window_bounds = array<i64: 512, 128>}, {pipeline_mode = #tpu.pipeline_mode<synchronous>, transform_indices = @transform_1, window_bounds = array<i64: 128, 128>}, {transform_indices = @transform_2, window_bounds = array<i64: 512, 16>}, {transform_indices = @transform_3, window_bounds = array<i64: 512, 16>}, {transform_indices = @transform_4, window_bounds = array<i64: 512, 128>}]} {
    %get3A = arith.constant 0 : index
    %get3A_0 = arith.constant 0 : index
    %get3A_1 = vector.load %arg3[%get3A, %get3A_0] : memref<512x16xf32, #tpu.memory_space<vmem>>, vector<512x1xf32>
    %get3A_2 = arith.constant 0 : index
    %get3A_3 = arith.constant 0 : index
    %get3A_4 = vector.load %arg4[%get3A_2, %get3A_3] : memref<512x16xf32, #tpu.memory_space<vmem>>, vector<512x1xf32>
    %add3A = arith.addf %get3A_1, %get3A_4 : vector<512x1xf32>
    %add3A_5 = arith.constant 1.000000e+00 : f32
    %add3A_6 = vector.broadcast %add3A_5 : f32 to vector<512x1xf32>
    %add3A_7 = arith.addf %add3A, %add3A_6 : vector<512x1xf32>
    %rsqrt3A = math.rsqrt %add3A_7 : vector<512x1xf32>
    %get3A_8 = arith.constant 0 : index
    %get3A_9 = arith.constant 0 : index
    %get3A_10 = vector.load %arg1[%get3A_8, %get3A_9] : memref<512x128xf32, #tpu.memory_space<vmem>>, vector<512x128xf32>
    %get3A_11 = arith.constant 0 : index
    %get3A_12 = arith.constant 0 : index
    %get3A_13 = vector.load %arg2[%get3A_11, %get3A_12] : memref<128x128xf32, #tpu.memory_space<vmem>>, vector<128x128xf32>
    %dot_general3A = arith.constant dense<0.000000e+00> : vector<512x128xf32>
    %dot_general3A_14 = tpu.matmul %get3A_10, %get3A_13, %dot_general3A {dimension_numbers = #tpu.dot_dimension_numbers<[1], [0], [0], [1], [0, 0, 1, 1], [], []>, transpose_lhs_hint = false} : vector<512x128xf32>, vector<128x128xf32>, vector<512x128xf32> -> vector<512x128xf32>
    %mul3A = vector.broadcast %rsqrt3A : vector<512x1xf32> to vector<512x128xf32>
    %mul3A_15 = arith.mulf %dot_general3A_14, %mul3A : vector<512x128xf32>
    %swap3A = arith.constant 0 : index
    %swap3A_16 = arith.constant 0 : index
    %swap3A_17 = vector.load %arg5[%swap3A, %swap3A_16] : memref<512x128xf32, #tpu.memory_space<vmem>>, vector<512x128xf32>
    tpu.vector_store %arg5[%swap3A, %swap3A_16], %mul3A_15 {strides = array<i32>} : memref<512x128xf32, #tpu.memory_space<vmem>>, vector<512x128xf32>,
    return
  }
  func.func @transform_0(%arg0: i32) -> (i32, i32) {
    %c0_i32 = arith.constant 0 : i32
    %c0_i32_0 = arith.constant 0 : i32
    return %arg0, %c0_i32 : i32, i32
  }
  func.func @transform_1(%arg0: i32) -> (i32, i32) {
    %c0_i32 = arith.constant 0 : i32
    %c0_i32_0 = arith.constant 0 : i32
    %c0_i32_1 = arith.constant 0 : i32
    return %c0_i32, %c0_i32_0 : i32, i32
  }
  func.func @transform_2(%arg0: i32) -> (i32, i32) {
    %c0_i32 = arith.constant 0 : i32
    %c0_i32_0 = arith.constant 0 : i32
    return %arg0, %c0_i32 : i32, i32
  }
  func.func @transform_3(%arg0: i32) -> (i32, i32) {
    %c0_i32 = arith.constant 0 : i32
    %c0_i32_0 = arith.constant 0 : i32
    return %arg0, %c0_i32 : i32, i32
  }
  func.func @transform_4(%arg0: i32) -> (i32, i32) {
    %c0_i32 = arith.constant 0 : i32
    %c0_i32_0 = arith.constant 0 : i32
    return %arg0, %c0_i32 : i32, i32
  }
}

module attributes {stable_mosaic.version = 14 : i64} {
  func.func @_tc_mid_body(%arg0: i32, %arg1: memref<512x128xf32, #tpu.memory_space<vmem>>, %arg2: memref<512x128xf32, #tpu.memory_space<vmem>>, %arg3: memref<512x128xf32, #tpu.memory_space<vmem>>, %arg4: memref<512x16xf32, #tpu.memory_space<vmem>>, %arg5: memref<512x16xf32, #tpu.memory_space<vmem>>, %arg6: memref<1x128xf32, #tpu.memory_space<vmem>>, %arg7: memref<128x128xf32, #tpu.memory_space<vmem>>, %arg8: memref<512x128xf32, #tpu.memory_space<vmem>>) attributes {dimension_semantics = [#tpu.dimension_semantics<arbitrary>], iteration_bounds = array<i64: 20>, scalar_prefetch = 0 : i64, scratch_operands = 0 : i64, tpu.core_type = #tpu.core_type<tc>, window_params = [{transform_indices = @transform_0, window_bounds = array<i64: 512, 128>}, {transform_indices = @transform_1, window_bounds = array<i64: 512, 128>}, {transform_indices = @transform_2, window_bounds = array<i64: 512, 128>}, {transform_indices = @transform_3, window_bounds = array<i64: 512, 16>}, {transform_indices = @transform_4, window_bounds = array<i64: 512, 16>}, {pipeline_mode = #tpu.pipeline_mode<synchronous>, transform_indices = @transform_5, window_bounds = array<i64: 1, 128>}, {pipeline_mode = #tpu.pipeline_mode<synchronous>, transform_indices = @transform_6, window_bounds = array<i64: 128, 128>}, {transform_indices = @transform_7, window_bounds = array<i64: 512, 128>}]} {
    %get3A = arith.constant 0 : index
    %get3A_0 = arith.constant 0 : index
    %get3A_1 = vector.load %arg4[%get3A, %get3A_0] : memref<512x16xf32, #tpu.memory_space<vmem>>, vector<512x1xf32>
    %get3A_2 = arith.constant 0 : index
    %get3A_3 = arith.constant 0 : index
    %get3A_4 = vector.load %arg5[%get3A_2, %get3A_3] : memref<512x16xf32, #tpu.memory_space<vmem>>, vector<512x1xf32>
    %add3A = arith.addf %get3A_1, %get3A_4 : vector<512x1xf32>
    %add3A_5 = arith.constant 1.000000e+00 : f32
    %add3A_6 = vector.broadcast %add3A_5 : f32 to vector<512x1xf32>
    %add3A_7 = arith.addf %add3A, %add3A_6 : vector<512x1xf32>
    %rsqrt3A = math.rsqrt %add3A_7 : vector<512x1xf32>
    %get3A_8 = arith.constant 0 : index
    %get3A_9 = arith.constant 0 : index
    %get3A_10 = vector.load %arg1[%get3A_8, %get3A_9] : memref<512x128xf32, #tpu.memory_space<vmem>>, vector<512x128xf32>
    %get3A_11 = arith.constant 0 : index
    %get3A_12 = arith.constant 0 : index
    %get3A_13 = vector.load %arg2[%get3A_11, %get3A_12] : memref<512x128xf32, #tpu.memory_space<vmem>>, vector<512x128xf32>
    %add3A_14 = arith.addf %get3A_10, %get3A_13 : vector<512x128xf32>
    %get3A_15 = arith.constant 0 : index
    %get3A_16 = arith.constant 0 : index
    %get3A_17 = vector.load %arg3[%get3A_15, %get3A_16] : memref<512x128xf32, #tpu.memory_space<vmem>>, vector<512x128xf32>
    %add3A_18 = arith.addf %add3A_14, %get3A_17 : vector<512x128xf32>
    %mul3A = vector.broadcast %rsqrt3A : vector<512x1xf32> to vector<512x128xf32>
    %mul3A_19 = arith.mulf %mul3A, %add3A_18 : vector<512x128xf32>
    %get3A_20 = arith.constant 0 : index
    %get3A_21 = arith.constant 0 : index
    %get3A_22 = vector.load %arg6[%get3A_20, %get3A_21] : memref<1x128xf32, #tpu.memory_space<vmem>>, vector<1x128xf32>
    %add3A_23 = vector.broadcast %get3A_22 : vector<1x128xf32> to vector<512x128xf32>
    %add3A_24 = arith.addf %mul3A_19, %add3A_23 : vector<512x128xf32>
    %max3A = arith.constant 0.000000e+00 : f32
    %max3A_25 = vector.broadcast %max3A : f32 to vector<512x128xf32>
    %max3A_26 = arith.maximumf %add3A_24, %max3A_25 : vector<512x128xf32>
    %get3A_27 = arith.constant 0 : index
    %get3A_28 = arith.constant 0 : index
    %get3A_29 = vector.load %arg7[%get3A_27, %get3A_28] : memref<128x128xf32, #tpu.memory_space<vmem>>, vector<128x128xf32>
    %dot_general3A = arith.constant dense<0.000000e+00> : vector<512x128xf32>
    %dot_general3A_30 = tpu.matmul %max3A_26, %get3A_29, %dot_general3A {dimension_numbers = #tpu.dot_dimension_numbers<[1], [0], [0], [1], [0, 0, 1, 1], [], []>, transpose_lhs_hint = false} : vector<512x128xf32>, vector<128x128xf32>, vector<512x128xf32> -> vector<512x128xf32>
    %mul3A_31 = vector.broadcast %rsqrt3A : vector<512x1xf32> to vector<512x128xf32>
    %mul3A_32 = arith.mulf %dot_general3A_30, %mul3A_31 : vector<512x128xf32>
    %swap3A = arith.constant 0 : index
    %swap3A_33 = arith.constant 0 : index
    %swap3A_34 = vector.load %arg8[%swap3A, %swap3A_33] : memref<512x128xf32, #tpu.memory_space<vmem>>, vector<512x128xf32>
    tpu.vector_store %arg8[%swap3A, %swap3A_33], %mul3A_32 {strides = array<i32>} : memref<512x128xf32, #tpu.memory_space<vmem>>, vector<512x128xf32>,
    return
  }
  func.func @transform_0(%arg0: i32) -> (i32, i32) {
    %c0_i32 = arith.constant 0 : i32
    %c0_i32_0 = arith.constant 0 : i32
    return %arg0, %c0_i32 : i32, i32
  }
  func.func @transform_1(%arg0: i32) -> (i32, i32) {
    %c0_i32 = arith.constant 0 : i32
    %c0_i32_0 = arith.constant 0 : i32
    return %arg0, %c0_i32 : i32, i32
  }
  func.func @transform_2(%arg0: i32) -> (i32, i32) {
    %c0_i32 = arith.constant 0 : i32
    %c0_i32_0 = arith.constant 0 : i32
    return %arg0, %c0_i32 : i32, i32
  }
  func.func @transform_3(%arg0: i32) -> (i32, i32) {
    %c0_i32 = arith.constant 0 : i32
    %c0_i32_0 = arith.constant 0 : i32
    return %arg0, %c0_i32 : i32, i32
  }
  func.func @transform_4(%arg0: i32) -> (i32, i32) {
    %c0_i32 = arith.constant 0 : i32
    %c0_i32_0 = arith.constant 0 : i32
    return %arg0, %c0_i32 : i32, i32
  }
  func.func @transform_5(%arg0: i32) -> (i32, i32) {
    %c0_i32 = arith.constant 0 : i32
    %c0_i32_0 = arith.constant 0 : i32
    %c0_i32_1 = arith.constant 0 : i32
    return %c0_i32, %c0_i32_0 : i32, i32
  }
  func.func @transform_6(%arg0: i32) -> (i32, i32) {
    %c0_i32 = arith.constant 0 : i32
    %c0_i32_0 = arith.constant 0 : i32
    %c0_i32_1 = arith.constant 0 : i32
    return %c0_i32, %c0_i32_0 : i32, i32
  }
  func.func @transform_7(%arg0: i32) -> (i32, i32) {
    %c0_i32 = arith.constant 0 : i32
    %c0_i32_0 = arith.constant 0 : i32
    return %arg0, %c0_i32 : i32, i32
  }
}

module attributes {stable_mosaic.version = 14 : i64} {
  func.func @_tc_final_body(%arg0: i32, %arg1: memref<512x128xf32, #tpu.memory_space<vmem>>, %arg2: memref<512x128xf32, #tpu.memory_space<vmem>>, %arg3: memref<512x128xf32, #tpu.memory_space<vmem>>, %arg4: memref<512x16xf32, #tpu.memory_space<vmem>>, %arg5: memref<512x16xf32, #tpu.memory_space<vmem>>, %arg6: memref<1x128xf32, #tpu.memory_space<vmem>>, %arg7: memref<128x256xf32, #tpu.memory_space<vmem>>, %arg8: memref<1x256xf32, #tpu.memory_space<vmem>>, %arg9: memref<256x256xf32, #tpu.memory_space<vmem>>, %arg10: memref<1x256xf32, #tpu.memory_space<vmem>>, %arg11: memref<256x64xf32, #tpu.memory_space<vmem>>, %arg12: memref<1x64xf32, #tpu.memory_space<vmem>>, %arg13: memref<512x64xf32, #tpu.memory_space<vmem>>) attributes {dimension_semantics = [#tpu.dimension_semantics<arbitrary>], iteration_bounds = array<i64: 20>, scalar_prefetch = 0 : i64, scratch_operands = 0 : i64, tpu.core_type = #tpu.core_type<tc>, window_params = [{transform_indices = @transform_0, window_bounds = array<i64: 512, 128>}, {transform_indices = @transform_1, window_bounds = array<i64: 512, 128>}, {transform_indices = @transform_2, window_bounds = array<i64: 512, 128>}, {transform_indices = @transform_3, window_bounds = array<i64: 512, 16>}, {transform_indices = @transform_4, window_bounds = array<i64: 512, 16>}, {pipeline_mode = #tpu.pipeline_mode<synchronous>, transform_indices = @transform_5, window_bounds = array<i64: 1, 128>}, {pipeline_mode = #tpu.pipeline_mode<synchronous>, transform_indices = @transform_6, window_bounds = array<i64: 128, 256>}, {pipeline_mode = #tpu.pipeline_mode<synchronous>, transform_indices = @transform_7, window_bounds = array<i64: 1, 256>}, {pipeline_mode = #tpu.pipeline_mode<synchronous>, transform_indices = @transform_8, window_bounds = array<i64: 256, 256>}, {pipeline_mode = #tpu.pipeline_mode<synchronous>, transform_indices = @transform_9, window_bounds = array<i64: 1, 256>}, {pipeline_mode = #tpu.pipeline_mode<synchronous>, transform_indices = @transform_10, window_bounds = array<i64: 256, 64>}, {pipeline_mode = #tpu.pipeline_mode<synchronous>, transform_indices = @transform_11, window_bounds = array<i64: 1, 64>}, {transform_indices = @transform_12, window_bounds = array<i64: 512, 64>}]} {
    %get3A = arith.constant 0 : index
    %get3A_0 = arith.constant 0 : index
    %get3A_1 = vector.load %arg4[%get3A, %get3A_0] : memref<512x16xf32, #tpu.memory_space<vmem>>, vector<512x1xf32>
    %get3A_2 = arith.constant 0 : index
    %get3A_3 = arith.constant 0 : index
    %get3A_4 = vector.load %arg5[%get3A_2, %get3A_3] : memref<512x16xf32, #tpu.memory_space<vmem>>, vector<512x1xf32>
    %add3A = arith.addf %get3A_1, %get3A_4 : vector<512x1xf32>
    %add3A_5 = arith.constant 1.000000e+00 : f32
    %add3A_6 = vector.broadcast %add3A_5 : f32 to vector<512x1xf32>
    %add3A_7 = arith.addf %add3A, %add3A_6 : vector<512x1xf32>
    %rsqrt3A = math.rsqrt %add3A_7 : vector<512x1xf32>
    %get3A_8 = arith.constant 0 : index
    %get3A_9 = arith.constant 0 : index
    %get3A_10 = vector.load %arg1[%get3A_8, %get3A_9] : memref<512x128xf32, #tpu.memory_space<vmem>>, vector<512x128xf32>
    %get3A_11 = arith.constant 0 : index
    %get3A_12 = arith.constant 0 : index
    %get3A_13 = vector.load %arg2[%get3A_11, %get3A_12] : memref<512x128xf32, #tpu.memory_space<vmem>>, vector<512x128xf32>
    %add3A_14 = arith.addf %get3A_10, %get3A_13 : vector<512x128xf32>
    %get3A_15 = arith.constant 0 : index
    %get3A_16 = arith.constant 0 : index
    %get3A_17 = vector.load %arg3[%get3A_15, %get3A_16] : memref<512x128xf32, #tpu.memory_space<vmem>>, vector<512x128xf32>
    %add3A_18 = arith.addf %add3A_14, %get3A_17 : vector<512x128xf32>
    %mul3A = vector.broadcast %rsqrt3A : vector<512x1xf32> to vector<512x128xf32>
    %mul3A_19 = arith.mulf %mul3A, %add3A_18 : vector<512x128xf32>
    %get3A_20 = arith.constant 0 : index
    %get3A_21 = arith.constant 0 : index
    %get3A_22 = vector.load %arg6[%get3A_20, %get3A_21] : memref<1x128xf32, #tpu.memory_space<vmem>>, vector<1x128xf32>
    %add3A_23 = vector.broadcast %get3A_22 : vector<1x128xf32> to vector<512x128xf32>
    %add3A_24 = arith.addf %mul3A_19, %add3A_23 : vector<512x128xf32>
    %max3A = arith.constant 0.000000e+00 : f32
    %max3A_25 = vector.broadcast %max3A : f32 to vector<512x128xf32>
    %max3A_26 = arith.maximumf %add3A_24, %max3A_25 : vector<512x128xf32>
    %get3A_27 = arith.constant 0 : index
    %get3A_28 = arith.constant 0 : index
    %get3A_29 = vector.load %arg7[%get3A_27, %get3A_28] : memref<128x256xf32, #tpu.memory_space<vmem>>, vector<128x256xf32>
    %dot_general3A = arith.constant dense<0.000000e+00> : vector<512x256xf32>
    %dot_general3A_30 = tpu.matmul %max3A_26, %get3A_29, %dot_general3A {dimension_numbers = #tpu.dot_dimension_numbers<[1], [0], [0], [1], [0, 0, 1, 1], [], []>, transpose_lhs_hint = false} : vector<512x128xf32>, vector<128x256xf32>, vector<512x256xf32> -> vector<512x256xf32>
    %get3A_31 = arith.constant 0 : index
    %get3A_32 = arith.constant 0 : index
    %get3A_33 = vector.load %arg8[%get3A_31, %get3A_32] : memref<1x256xf32, #tpu.memory_space<vmem>>, vector<1x256xf32>
    %add3A_34 = vector.broadcast %get3A_33 : vector<1x256xf32> to vector<512x256xf32>
    %add3A_35 = arith.addf %dot_general3A_30, %add3A_34 : vector<512x256xf32>
    %max3A_36 = arith.constant 0.000000e+00 : f32
    %max3A_37 = vector.broadcast %max3A_36 : f32 to vector<512x256xf32>
    %max3A_38 = arith.maximumf %add3A_35, %max3A_37 : vector<512x256xf32>
    %get3A_39 = arith.constant 0 : index
    %get3A_40 = arith.constant 0 : index
    %get3A_41 = vector.load %arg9[%get3A_39, %get3A_40] : memref<256x256xf32, #tpu.memory_space<vmem>>, vector<256x256xf32>
    %dot_general3A_42 = arith.constant dense<0.000000e+00> : vector<512x256xf32>
    %dot_general3A_43 = tpu.matmul %max3A_38, %get3A_41, %dot_general3A_42 {dimension_numbers = #tpu.dot_dimension_numbers<[1], [0], [0], [1], [0, 0, 1, 1], [], []>, transpose_lhs_hint = false} : vector<512x256xf32>, vector<256x256xf32>, vector<512x256xf32> -> vector<512x256xf32>
    %get3A_44 = arith.constant 0 : index
    %get3A_45 = arith.constant 0 : index
    %get3A_46 = vector.load %arg10[%get3A_44, %get3A_45] : memref<1x256xf32, #tpu.memory_space<vmem>>, vector<1x256xf32>
    %add3A_47 = vector.broadcast %get3A_46 : vector<1x256xf32> to vector<512x256xf32>
    %add3A_48 = arith.addf %dot_general3A_43, %add3A_47 : vector<512x256xf32>
    %max3A_49 = arith.constant 0.000000e+00 : f32
    %max3A_50 = vector.broadcast %max3A_49 : f32 to vector<512x256xf32>
    %max3A_51 = arith.maximumf %add3A_48, %max3A_50 : vector<512x256xf32>
    %get3A_52 = arith.constant 0 : index
    %get3A_53 = arith.constant 0 : index
    %get3A_54 = vector.load %arg11[%get3A_52, %get3A_53] : memref<256x64xf32, #tpu.memory_space<vmem>>, vector<256x64xf32>
    %dot_general3A_55 = arith.constant dense<0.000000e+00> : vector<512x64xf32>
    %dot_general3A_56 = tpu.matmul %max3A_51, %get3A_54, %dot_general3A_55 {dimension_numbers = #tpu.dot_dimension_numbers<[1], [0], [0], [1], [0, 0, 1, 1], [], []>, transpose_lhs_hint = false} : vector<512x256xf32>, vector<256x64xf32>, vector<512x64xf32> -> vector<512x64xf32>
    %get3A_57 = arith.constant 0 : index
    %get3A_58 = arith.constant 0 : index
    %get3A_59 = vector.load %arg12[%get3A_57, %get3A_58] : memref<1x64xf32, #tpu.memory_space<vmem>>, vector<1x64xf32>
    %add3A_60 = vector.broadcast %get3A_59 : vector<1x64xf32> to vector<512x64xf32>
    %add3A_61 = arith.addf %dot_general3A_56, %add3A_60 : vector<512x64xf32>
    %max3A_62 = arith.constant 0.000000e+00 : f32
    %max3A_63 = vector.broadcast %max3A_62 : f32 to vector<512x64xf32>
    %max3A_64 = arith.maximumf %add3A_61, %max3A_63 : vector<512x64xf32>
    %swap3A = arith.constant 0 : index
    %swap3A_65 = arith.constant 0 : index
    %swap3A_66 = vector.load %arg13[%swap3A, %swap3A_65] : memref<512x64xf32, #tpu.memory_space<vmem>>, vector<512x64xf32>
    tpu.vector_store %arg13[%swap3A, %swap3A_65], %max3A_64 {strides = array<i32>} : memref<512x64xf32, #tpu.memory_space<vmem>>, vector<512x64xf32>,
    return
  }
  func.func @transform_0(%arg0: i32) -> (i32, i32) {
    %c0_i32 = arith.constant 0 : i32
    %c0_i32_0 = arith.constant 0 : i32
    return %arg0, %c0_i32 : i32, i32
  }
  func.func @transform_1(%arg0: i32) -> (i32, i32) {
    %c0_i32 = arith.constant 0 : i32
    %c0_i32_0 = arith.constant 0 : i32
    return %arg0, %c0_i32 : i32, i32
  }
  func.func @transform_2(%arg0: i32) -> (i32, i32) {
    %c0_i32 = arith.constant 0 : i32
    %c0_i32_0 = arith.constant 0 : i32
    return %arg0, %c0_i32 : i32, i32
  }
  func.func @transform_3(%arg0: i32) -> (i32, i32) {
    %c0_i32 = arith.constant 0 : i32
    %c0_i32_0 = arith.constant 0 : i32
    return %arg0, %c0_i32 : i32, i32
  }
  func.func @transform_4(%arg0: i32) -> (i32, i32) {
    %c0_i32 = arith.constant 0 : i32
    %c0_i32_0 = arith.constant 0 : i32
    return %arg0, %c0_i32 : i32, i32
  }
  func.func @transform_5(%arg0: i32) -> (i32, i32) {
    %c0_i32 = arith.constant 0 : i32
    %c0_i32_0 = arith.constant 0 : i32
    %c0_i32_1 = arith.constant 0 : i32
    return %c0_i32, %c0_i32_0 : i32, i32
  }
  func.func @transform_6(%arg0: i32) -> (i32, i32) {
    %c0_i32 = arith.constant 0 : i32
    %c0_i32_0 = arith.constant 0 : i32
    %c0_i32_1 = arith.constant 0 : i32
    return %c0_i32, %c0_i32_0 : i32, i32
  }
  func.func @transform_7(%arg0: i32) -> (i32, i32) {
    %c0_i32 = arith.constant 0 : i32
    %c0_i32_0 = arith.constant 0 : i32
    %c0_i32_1 = arith.constant 0 : i32
    return %c0_i32, %c0_i32_0 : i32, i32
  }
  func.func @transform_8(%arg0: i32) -> (i32, i32) {
    %c0_i32 = arith.constant 0 : i32
    %c0_i32_0 = arith.constant 0 : i32
    %c0_i32_1 = arith.constant 0 : i32
    return %c0_i32, %c0_i32_0 : i32, i32
  }
  func.func @transform_9(%arg0: i32) -> (i32, i32) {
    %c0_i32 = arith.constant 0 : i32
    %c0_i32_0 = arith.constant 0 : i32
    %c0_i32_1 = arith.constant 0 : i32
    return %c0_i32, %c0_i32_0 : i32, i32
  }
  func.func @transform_10(%arg0: i32) -> (i32, i32) {
    %c0_i32 = arith.constant 0 : i32
    %c0_i32_0 = arith.constant 0 : i32
    %c0_i32_1 = arith.constant 0 : i32
    return %c0_i32, %c0_i32_0 : i32, i32
  }
  func.func @transform_11(%arg0: i32) -> (i32, i32) {
    %c0_i32 = arith.constant 0 : i32
    %c0_i32_0 = arith.constant 0 : i32
    %c0_i32_1 = arith.constant 0 : i32
    return %c0_i32, %c0_i32_0 : i32, i32
  }
  func.func @transform_12(%arg0: i32) -> (i32, i32) {
    %c0_i32 = arith.constant 0 : i32
    %c0_i32_0 = arith.constant 0 : i32
    return %arg0, %c0_i32 : i32, i32
  }
}

</mosaic_0001>

<sc_bundles>
// kernel: kernel.11.cloned.1.call-start
scs
__scs_entry_jumppad:
0x0: {  	(pc) =	sbr.rel $0x88, $3  }
0x1: {  	(tag) =	ssettag $0x0;
	lr =	simm.s32 $0x1  }
0x2: {  	[smem:$0x3F95] =	sst lr;
	_ =	strace $0xD0000000  }
0x3: {  	_ = 	snop  }
0x4: {  	_ = 	snop  }
0x5: {  	_ = 	snop  }
0x6: {  	_ = 	snop  }
0x7: {  	_ = 	snop  }
__scs_overlays_trampoline_lowered:
0x8: {  	[smem:$0x3FA4] =	sst s0  }
0x9: {  	[smem:$0x3FA5] =	sst s1  }
0xa: {  	[smem:$0x3FA6] =	sst s2  }
0xb: {  	[smem:$0x3FA7] =	sst s3  }
0xc: {  	[smem:$0x3FA8] =	sst s4  }
0xd: {  	[smem:$0x3FA9] =	sst s5  }
0xe: {  	[smem:$0x3FAA] =	sst s6  }
0xf: {  	[smem:$0x3FAB] =	sst s7  }
0x10: {  	[smem:$0x3FAC] =	sst s8  }
0x11: {  	[smem:$0x3FAD] =	sst s9;
	s0 =	simm.s32 @!p0 $0x0  }
0x12: {  	s1 =	sld [smem:$0x3F93];
	s0 =	simm.s32 @p0 $0x1  }
0x13: {  	[smem:$0x3FAE] =	sst s0;
	s0 =	simm.s32 @!p1 $0x0  }
0x14: {  	s2 =	sld [smem:$0x3F92];
	s0 =	simm.s32 @p1 $0x1  }
0x15: {  	[smem:$0x3FAF] =	sst s0;
	s0 =	simm.s32 @!p2 $0x0  }
0x16: {  	s3 =	sld [smem:$0x3FDB];
	s0 =	simm.s32 @p2 $0x1  }
0x17: {  	s4 =	simm.s32 $0x1BF5;
	[smem:$0x3FB1] =	sst s0  }
0x18: {  	s0 =	sld [smem:$0x3F94];
	_ =	swait.ge [sflag:s4], $0x0  }
0x19: {  	s7 =	sld [smem:$0x3F95]  }
0x1a: {  	s8 =	sadd.s32 $0xFFFFE003, lr  }
0x1b: {  	s9 =	sadd.s32 $0xFFFFFEF7, lr;
	s5 =	simm.s32 $0xFFFFFFFF;
	p2 =	slt.u32 s8, $0xFFFFF086  }
0x1c: {  	p1 =	slt.u32 s9, $0xF7A;
	s5 =	simm.s32 @!p2 $0x0  }
0x1d: {  	s5 =	simm.s32 @p1 $0x1;
	p0 =	seq.s32 s7, s2  }
0x1e: {  	s7 =	smul.u32 @!p0 $0xF7A, s2;
	p2 =	seq.s32 @!p0 s5, $0x0  }
0x1f: {  	s9 =	smul.u32 $0xF7A, s1;
	s8 =	simm.s32 @!p0 $0x1BF5;
	p2 =	por !p2, p0  }
0x20: {  	[sflag:s8] =	ssyncset.s32 @!p0 $0xFFFFF086;
	s6 =	sadd.s32 @!p0 s3, s7;
	s7 =	simm.s32 @!p0 $0x108  }
0x21: {  	s3 =	sadd.s32 s3, s9;
	s6 =	sadd.s32 @!p0 $0x88, s6;
	s7 =	simm.s32 @p2 $0x1082  }
0x22: {  	[simem:s7], [sflag:s8] =	dma.local @!p0 [hbm:s6], $0xF7A  }
0x23: {  	s9 =	sor.u32 $0xD0000000, s2;
	s6 =	simm.s32 $0x108;
	_ =	swait.ge @!p0 [sflag:s8], $0x0  }
0x24: {  	s3 =	sadd.s32 $0x88, s3;
	s6 =	simm.s32 @!p1 $0x1082;
	[sflag:s4] =	ssyncset.s32 $0xFFFFF086  }
0x25: {  	[simem:s6], [sflag:s4] =	dma.local [hbm:s3], $0xF7A  }
0x26: {  	[smem:$0x3F95] =	sst s1;
	(tag) =	ssettag s2;
	_ =	strace s9  }
0x27: {  	s1 =	sld [smem:$0x3FA5]  }
0x28: {  	s2 =	sld [smem:$0x3FA6]  }
0x29: {  	s4 =	sld [smem:$0x3FA8]  }
0x2a: {  	p0 =	seq.s32 s5, $0x0;
	s5 =	sld [smem:$0x3FA9]  }
0x2b: {  	s6 =	sld [smem:$0x3FAA]  }
0x2c: {  	s7 =	sld [smem:$0x3FAB]  }
0x2d: {  	s3 =	simm.s32 $0x108;
	s8 =	sld [smem:$0x3FAC]  }
0x2e: {  	s3 =	simm.s32 @!p0 $0x1082;
	s9 =	sld [smem:$0x3FAD]  }
0x2f: {  	lr =	sadd.s32 s0, s3;
	s0 =	sld [smem:$0x3FA4]  }
0x30: {  	s3 =	sld [smem:$0x3FA7]  }
0x31: {  	[smem:$0x3FB0] =	sst s10  }
0x32: {  	s10 =	sld [smem:$0x3FAE];
	_ =	sdelay $0x3  }
0x33: {  	p0 =	seq.s32 s10, $0x1;
	s10 =	sld [smem:$0x3FB0];
	_ =	sdelay $0x3  }
0x34: {  	[smem:$0x3FB0] =	sst s10  }
0x35: {  	s10 =	sld [smem:$0x3FAF];
	_ =	sdelay $0x3  }
0x36: {  	p1 =	seq.s32 s10, $0x1;
	s10 =	sld [smem:$0x3FB0];
	_ =	sdelay $0x3  }
0x37: {  	[smem:$0x3FB0] =	sst s10  }
0x38: {  	s10 =	sld [smem:$0x3FB1]  }
0x39: {  	_ = 	snop;
	(pc) =	sbr.ind lr, $3  }
0x3a: {  	_ = 	snop  }
0x3b: {  	_ = 	snop  }
0x3c: {  	p2 =	seq.s32 s10, $0x1;
	s10 =	sld [smem:$0x3FB0]  }
0x3d: {  	_ =	shalt  }
0x3e: {  	_ =	shalt  }
0x3f: {  	_ =	shalt  }
0x40: {  	_ =	shalt  }
0x41: {  	_ =	shalt  }
0x42: {  	_ =	shalt  }
0x43: {  	_ =	shalt  }
0x44: {  	_ =	shalt  }
0x45: {  	_ =	shalt  }
0x46: {  	_ =	shalt  }
0x47: {  	_ =	shalt  }
0x48: {  	_ =	shalt  }
0x49: {  	_ =	shalt  }
0x4a: {  	_ =	shalt  }
0x4b: {  	_ =	shalt  }
0x4c: {  	_ =	shalt  }
0x4d: {  	_ =	shalt  }
0x4e: {  	_ =	shalt  }
0x4f: {  	_ =	shalt  }
0x50: {  	_ =	shalt  }
0x51: {  	_ =	shalt  }
0x52: {  	_ =	shalt  }
0x53: {  	_ =	shalt  }
0x54: {  	_ =	shalt  }
0x55: {  	_ =	shalt  }
0x56: {  	_ =	shalt  }
0x57: {  	_ =	shalt  }
0x58: {  	_ =	shalt  }
0x59: {  	_ =	shalt  }
0x5a: {  	_ =	shalt  }
0x5b: {  	_ =	shalt  }
0x5c: {  	_ =	shalt  }
0x5d: {  	_ =	shalt  }
0x5e: {  	_ =	shalt  }
0x5f: {  	_ =	shalt  }
0x60: {  	_ =	shalt  }
0x61: {  	_ =	shalt  }
0x62: {  	_ =	shalt  }
0x63: {  	_ =	shalt  }
0x64: {  	_ =	shalt  }
0x65: {  	_ =	shalt  }
0x66: {  	_ =	shalt  }
0x67: {  	_ =	shalt  }
0x68: {  	_ =	shalt  }
0x69: {  	_ =	shalt  }
0x6a: {  	_ =	shalt  }
0x6b: {  	_ =	shalt  }
0x6c: {  	_ =	shalt  }
0x6d: {  	_ =	shalt  }
0x6e: {  	_ =	shalt  }
0x6f: {  	_ =	shalt  }
0x70: {  	_ =	shalt  }
0x71: {  	_ =	shalt  }
0x72: {  	_ =	shalt  }
0x73: {  	_ =	shalt  }
0x74: {  	_ =	shalt  }
0x75: {  	_ =	shalt  }
0x76: {  	_ =	shalt  }
0x77: {  	_ =	shalt  }
0x78: {  	_ =	shalt  }
0x79: {  	_ =	shalt  }
0x7a: {  	_ =	shalt  }
0x7b: {  	_ =	shalt  }
0x7c: {  	_ =	shalt  }
0x7d: {  	_ =	shalt  }
0x7e: {  	_ =	shalt  }
0x7f: {  	_ =	shalt  }
0x80: {  	_ =	shalt  }
0x81: {  	_ =	shalt  }
0x82: {  	_ =	shalt  }
0x83: {  	_ =	shalt  }
0x84: {  	_ =	shalt  }
0x85: {  	_ =	shalt  }
0x86: {  	_ =	shalt  }
0x87: {  	_ =	shalt  }
.Lfunc_end0:
.L_simem_size_0:
called_computation.1_lowered:
.L_overlay_start_0:
0x88: {  	s2 =	sld [smem:$0x3FD9]  }
0x89: {  	s3 =	sld [smem:$0x3FFE];
	_ =	sdelay $0x1  }
0x8a: {  	s1 =	srdreg.scid  }
0x8b: {  	s0 =	sand.u32 $0x1, s1  }
0x8c: {  	s17 =	sshll.u32 s0, $0xA;
	s2 =	sadd.s32 s3, s2  }
0x8d: {  	s2 =	sadd.s32 s2, s17  }
0x8e: {  	[smem:$0x3FBC] =	sst s2  }
0x8f: {  	_ = 	snop  }
0x90: {  	s2 =	sld [smem:$0x3FD0];
	(tm) =	ssettm $0x1  }
0x91: {  	s18 =	sld [smem:$0x3FFB];
	_ =	sdelay $0x3  }
0x92: {  	_ =	strace s18  }
0x93: {  	s3 =	sld [smem:$0x3FFC];
	_ =	sdelay $0x3  }
0x94: {  	_ =	strace s3  }
0x95: {  	s3 =	sld [smem:$0x3FFD];
	_ =	sdelay $0x3  }
0x96: {  	_ =	strace s3  }
0x97: {  	_ =	strace $0x8FFFFFFF  }
0x98: {  	s19 =	sld [smem:$0x3FDB];
	_ =	sdelay $0x1  }
0x99: {  	s4 =	simm.s32 $_scs_section_size  }
0x9a: {  	s5 =	simm.s32 $_size__tile_overlayer_lowered;
	s6 =	simm.s32 $_tile_overlayer_lowered  }
0x9b: {  	s22 =	simm.s32 $0x1BFF;
	s21 =	sshll.u32 s6, $0x1;
	s3 =	sadd.s32 s4, s19  }
0x9c: {  	s7 =	simm.s32 $0x0;
	s20 =	sshll.u32 s5, $0x1;
	s5 =	sadd.s32 s21, s3  }
0x9d: {  	[timem:s7], [sflag:s22] =	dma.local [hbm:s5], s20  }
0x9e: {  	_ =	swait.ge [sflag:s22], s20  }
0x9f: {  	s4 =	ssub.s32 $0x0, s20;
	[sflag:s22] =	ssyncset.done $0x0  }
0xa0: {  	[sflag:s22] =	ssyncadd.s32 s4;
	_ =	sdelay $0x1  }
0xa1: {  	s23 =	simm.s32 $0x1B8B  }
0xa2: {  	_ =	swait.ge [sflag:s23], $0x1  }
0xa3: {  	[sflag:s23] =	ssyncset.done $0x0  }
0xa4: {  	s25 =	simm.s32 $0x1B8E;
	s24 =	sld [smem:$0x3FFE];
	[sflag:s23] =	ssyncadd.s32 $0xFFFFFFFF  }
0xa5: {  	s26 =	simm.s32 $execute0_lowered;
	[smem:$0x3FD2] =	sst s25  }
0xa6: {  	s5 =	sshll.u32 s26, $0x1;
	_ =	strace $0x80000049;
	[dreg:$0x1] =	wrdreg $0xFFFFFFFF  }
0xa7: {  	s28 =	simm.s32 $_size_execute0_lowered;
	s3 =	sadd.s32 s3, s5;
	[dreg:$0x0] =	wrdreg $0x0  }
0xa8: {  	s5 =	sshll.u32 s28, $0x1;
	[dreg:$0x2] =	wrdreg s3  }
0xa9: {  	[dreg:$0x3] =	wrdreg s5  }
0xaa: {  	[dreg:$0x4] =	wrdreg $0xC0  }
0xab: {  	_ =	task [dreg:s7], $0x5FFFF  }
0xac: {  	[dreg:$0x1] =	wrdreg $0xFFFFFFFF  }
0xad: {  	[dreg:$0x0] =	wrdreg $0x60  }
0xae: {  	[dreg:$0x2] =	wrdreg s24  }
0xaf: {  	[dreg:$0x3] =	wrdreg s2  }
0xb0: {  	[dreg:$0x4] =	wrdreg $0xA8000  }
0xb1: {  	[dreg:$0x5] =	wrdreg $0x9  }
0xb2: {  	_ =	task.clear_ibuf [dreg:s7], $0x6FFFF;
	_ =	strace $0x90000049  }
0xb3: {  	s29 =	simm.s32 $0x9;
	_ =	strace $0x8000004B  }
0xb4: {  	_ =	swait.ge [sflag:s29], $0x1  }
0xb5: {  	[sflag:s29] =	ssyncadd.s32 $0xFFFFFFFF  }
0xb6: {  	_ =	strace $0x9000004B  }
0xb7: {  	_ =	sfence  }
0xb8: {  	s30 =	sld [smem:$0x0];
	_ =	sdelay $0x2  }
0xb9: {  	s31 =	sshll.u32 s1, $0xD;
	s1 =	sshrl.u32 s1, $0x2  }
0xba: {  	s3 =	sand.u32 $0x4000, s31;
	s1 =	sadd.s32 s1, s30  }
0xbb: {  	s0 =	sor.u32 s3, s0;
	s1 =	sshll.u32 s1, $0x11  }
0xbc: {  	s0 =	sor.u32 s1, s0  }
0xbd: {  	s0 =	sadd.s32 $0x8F2B, s0  }
0xbe: {  	[sflag:s0] =	ssyncadd.remote.s32 $0x1  }
0xbf: {  	_ =	sfence.sel $0xFFFF  }
0xc0: {  	[dreg:$0x0] =	wrdreg $0xFFFFFFFF;
	(pc) =	sbr.abs _section_cstart, $3  }
0xc1: {  	[dreg:$0x1] =	wrdreg $0xFFFFFFFF  }
0xc2: {  	_ =	task.clear_ibuf [dreg:s7], $0x2FFFF;
	_ =	strace $0x9FFFFFFF  }
0xc3: {  	(tm) =	ssettm $0x7FFFFFFF  }
tec
execute0_lowered:
.L_overlay_start_1:
0x0: {  	(tag) =	ssettag $0x1  }
0x1: {  	s5 =	rddreg [dreg:$0x0]  }
0x2: {  	s9 =	rddreg [dreg:$0x1]  }
0x3: {  	s2 =	rddreg [dreg:$0x2]  }
0x4: {  	s0 =	rddreg [dreg:$0x3];
	s3 =	simm.s32 $0x0  }
0x5: {  	s1 =	stileid.u32;
	s4 =	srdreg.scid;
	s16 =	simm.s32 $0x80  }
0x6: {  	s17 =	simm.s32 $0x2800;
	s18 =	simm.s32 $0x6800;
	s19 =	simm.s32 $0x1  }
0x7: {  	s20 =	simm.s32 $0x2;
	s21 =	simm.s32 $0x1380;
	s22 =	simm.s32 $0x2700  }
0x8: {  	s23 =	simm.s32 $0x2780;
	s24 =	simm.s32 $0x0;
	[smem:$0x7FF] =	sst s3  }
0x9: {  	s6 =	smul.u32 $0x2800, s1;
	s7 =	sand.u32 $0x1, s4;
	s4 =	sadd.s32 $0x5E000, s5  }
0xa: {  	s10 =	sadd.s32 $0x4000, s5;
	s12 =	sshll.u32 s1, $0x1;
	s13 =	smul.u32 $0x50000, s1  }
0xb: {  	s28 =	sshll.u32 s1, $0x6;
	_ =	strace $0x8000004A;
	s8 =	smul.u32 $0x28000, s7  }
0xc: {  	s25 =	ssub.s32 $0x2, s7;
	s7 =	sor.u32 s7, s12;
	s11 =	sadd.s32 s6, s5  }
0xd: {  	s26 =	sshrl.u32 s25, $0x1;
	s13 =	sshrl.u32 s13, $0x2;
	s14 =	smul.u32 $0x2800, s7  }
0xe: {  	s29 =	smul.u32 $0x500, s7;
	s6 =	sadd.s32 s6, s8;
	s12 =	ssub.s32 s25, s26  }
0xf: {  	s13 =	sadd.s32 s13, s2;
	s15 =	sadd.s32 s6, s5;
	s30 =	sshrl.u32 s14, $0x3  }
0x10: {  	s5 =	sadd.s32 $0x86000, s11;
	s6 =	sor.u32 $0x1C03, s28;
	s7 =	sadd.s32 s9, s29  }
0x11: {  	s8 =	sadd.s32 s10, s29;
	s12 =	smax.u32 s12, $0x1;
	s13 =	sshrl.u32 s13, $0x3  }
0x12: {  	s14 =	simm.s32 $0x3;
	s31 =	sadd.s32 $0x280, s30;
	s11 =	sadd.s32 $0xAE000, s15  }
0x13: {  	s15 =	simm.s32 $0x1400;
	s9 =	sadd.s32 s9, s31;
	s10 =	sadd.s32 s10, s31  }
.LBB2_1:
0x14: {  	[spmem:s13], [sflag:s6] =	dma.local [hbm:s5], $0x2800  }
0x15: {  	_ =	swait.ge [sflag:s14], $0x2800  }
0x16: {  	[sflag:s14] =	ssyncset.done $0x0  }
0x17: {  	[sflag:s14] =	ssyncadd.s32 $0xFFFFD800  }
0x18: {  	[bflag:$0x0] =	sbarrier.arrive $0xFFFF  }
0x19: {  	[tilespmem:s3], [sflag:$0x3] =	stream.linear.gather [hbm4b:s7+s3], $0x1400, $0x38;
	[tilespmem:$0x1E800] =	vst v63  }
0x1a: {  	_ =	swait.ge [sflag:s14], $0x1400  }
0x1b: {  	[sflag:s14] =	ssyncset.done $0x0  }
0x1c: {  	[sflag:s14] =	ssyncadd.s32 $0xFFFFEC00  }
0x1d: {  	[tilespmem:s15], [sflag:$0x3] =	stream.linear.gather [hbm4b:s8+s3], $0x1400, $0x38;
	[tilespmem:$0x1E800] =	vst v63  }
0x1e: {  	_ =	swait.ge [sflag:s14], $0x1400  }
0x1f: {  	[sflag:s14] =	ssyncset.done $0x0  }
0x20: {  	[sflag:s14] =	ssyncadd.s32 $0xFFFFEC00  }
0x21: {  	[tilespmem:s17], [sflag:$0x1] =	stream.indirect.gather [hbm4b:s4+s16], $0x80, s3, s16, $0xb8;
	[tilespmem:$0x1E800] =	vst v63  }
0x22: {  	s25 =	simm.s32 $0x80  }
0x23: {  	[tilespmem:s18], [sflag:$0x2] =	stream.indirect.gather [hbm4b:s4+s16], $0x80, s25, s16, $0xb8;
	[tilespmem:$0x1E800] =	vst v63  }
0x24: {  	_ =	swait.ge [sflag:s19], $0x4000  }
0x25: {  	[sflag:s19] =	ssyncset.done $0x0  }
0x26: {  	s29 =	simm.s32 $0x1400;
	[sflag:s19] =	ssyncadd.s32 $0xFFFFC000  }
0x27: {  	[spmem:s2] =	stream.indirect.scatter.add.f32 [tilespmem:s17], [sflag:$0x3], $0x80, s29, s16, $0xb8;
	[tilespmem:$0x1E800] =	vst v63  }
0x28: {  	_ =	swait.ge [sflag:s14], $0x4000  }
0x29: {  	[sflag:s14] =	ssyncset.done $0x0  }
0x2a: {  	s30 =	simm.s32 $0x100;
	[sflag:s14] =	ssyncadd.s32 $0xFFFFC000  }
0x2b: {  	[tilespmem:s17], [sflag:$0x1] =	stream.indirect.gather [hbm4b:s4+s16], $0x80, s30, s16, $0xb8;
	[tilespmem:$0x1E800] =	vst v63  }
0x2c: {  	_ =	swait.ge [sflag:s20], $0x4000  }
0x2d: {  	[sflag:s20] =	ssyncset.done $0x0  }
0x2e: {  	s31 =	simm.s32 $0x1480;
	[sflag:s20] =	ssyncadd.s32 $0xFFFFC000  }
0x2f: {  	[spmem:s2] =	stream.indirect.scatter.add.f32 [tilespmem:s18], [sflag:$0x3], $0x80, s31, s16, $0xb8;
	[tilespmem:$0x1E800] =	vst v63  }
0x30: {  	_ =	swait.ge [sflag:s14], $0x4000  }
0x31: {  	s26 =	simm.s32 $0x800;
	s25 =	simm.s32 $0x100;
	[sflag:s14] =	ssyncset.done $0x0  }
.LBB2_2:
0x32: {  	s28 =	sadd.s32 $0x80, s25  }
0x33: {  	[sflag:s14] =	ssyncadd.s32 $0xFFFFC000;
	s29 =	smov.u32 s26;
	s30 =	sadd.s32 $0x400, s26  }
0x34: {  	[tilespmem:s18], [sflag:$0x2] =	stream.indirect.gather [hbm4b:s4+s16], $0x80, s28, s16, $0xb8;
	[tilespmem:$0x1E800] =	vst v63  }
0x35: {  	p0 =	sne.s32 s26, $0x4800;
	_ =	swait.ge [sflag:s19], $0x4000  }
0x36: {  	[sflag:s19] =	ssyncset.done $0x0  }
0x37: {  	s26 =	sadd.s32 $0x1400, s25;
	[sflag:s19] =	ssyncadd.s32 $0xFFFFC000  }
0x38: {  	[spmem:s2] =	stream.indirect.scatter.add.f32 [tilespmem:s17], [sflag:$0x3], $0x80, s26, s16, $0xb8;
	[tilespmem:$0x1E800] =	vst v63  }
0x39: {  	_ =	swait.ge [sflag:s14], $0x4000  }
0x3a: {  	[sflag:s14] =	ssyncset.done $0x0  }
0x3b: {  	s26 =	sadd.s32 $0x100, s25;
	[sflag:s14] =	ssyncadd.s32 $0xFFFFC000  }
0x3c: {  	[tilespmem:s17], [sflag:$0x1] =	stream.indirect.gather [hbm4b:s4+s16], $0x80, s26, s16, $0xb8;
	[tilespmem:$0x1E800] =	vst v63  }
0x3d: {  	_ =	swait.ge [sflag:s20], $0x4000  }
.Ltmp0:
0x3e: {  	[sflag:s20] =	ssyncset.done $0x0;
	(pc) =	sbr.rel @p0 .LBB2_2-.Ltmp0, $4  }
0x3f: {  	s25 =	sadd.s32 $0x1480, s25;
	[sflag:s20] =	ssyncadd.s32 $0xFFFFC000  }
0x40: {  	[spmem:s2] =	stream.indirect.scatter.add.f32 [tilespmem:s18], [sflag:$0x3], $0x80, s25, s16, $0xb8;
	[tilespmem:$0x1E800] =	vst v63  }
0x41: {  	_ =	swait.ge [sflag:s14], $0x4000  }
0x42: {  	s26 =	smov.u32 s30;
	s25 =	sshra.s32 s29, $0x2;
	[sflag:s14] =	ssyncset.done $0x0  }
0x43: {  	s26 =	sadd.s32 $0x80, s25;
	[sflag:s14] =	ssyncadd.s32 $0xFFFFC000  }
0x44: {  	[tilespmem:s18], [sflag:$0x2] =	stream.indirect.gather [hbm4b:s4+s16], $0x80, s26, s16, $0xb8;
	[tilespmem:$0x1E800] =	vst v63  }
0x45: {  	_ =	swait.ge [sflag:s19], $0x4000  }
0x46: {  	[sflag:s19] =	ssyncset.done $0x0  }
0x47: {  	s29 =	sadd.s32 $0x1400, s25;
	[sflag:s19] =	ssyncadd.s32 $0xFFFFC000  }
0x48: {  	[spmem:s2] =	stream.indirect.scatter.add.f32 [tilespmem:s17], [sflag:$0x3], $0x80, s29, s16, $0xb8;
	[tilespmem:$0x1E800] =	vst v63  }
0x49: {  	_ =	swait.ge [sflag:s14], $0x4000  }
0x4a: {  	[sflag:s14] =	ssyncset.done $0x0  }
0x4b: {  	s30 =	sadd.s32 $0x100, s25;
	[sflag:s14] =	ssyncadd.s32 $0xFFFFC000  }
0x4c: {  	[tilespmem:s17], [sflag:$0x1] =	stream.indirect.gather [hbm4b:s4+s16], $0x80, s30, s16, $0xb8;
	[tilespmem:$0x1E800] =	vst v63  }
0x4d: {  	_ =	swait.ge [sflag:s20], $0x4000  }
0x4e: {  	[sflag:s20] =	ssyncset.done $0x0  }
0x4f: {  	s31 =	sadd.s32 $0x1480, s25;
	[sflag:s20] =	ssyncadd.s32 $0xFFFFC000  }
0x50: {  	[spmem:s2] =	stream.indirect.scatter.add.f32 [tilespmem:s18], [sflag:$0x3], $0x80, s31, s16, $0xb8;
	[tilespmem:$0x1E800] =	vst v63  }
0x51: {  	_ =	swait.ge [sflag:s14], $0x4000  }
0x52: {  	[sflag:s14] =	ssyncset.done $0x0  }
0x53: {  	[sflag:s14] =	ssyncadd.s32 $0xFFFFC000  }
0x54: {  	[tilespmem:s18], [sflag:$0x2] =	stream.indirect.gather [hbm4b:s4+s16], $0x80, s21, s16, $0xb8;
	[tilespmem:$0x1E800] =	vst v63  }
0x55: {  	_ =	swait.ge [sflag:s19], $0x4000  }
0x56: {  	[sflag:s19] =	ssyncset.done $0x0  }
0x57: {  	[sflag:s19] =	ssyncadd.s32 $0xFFFFC000  }
0x58: {  	[spmem:s2] =	stream.indirect.scatter.add.f32 [tilespmem:s17], [sflag:$0x3], $0x80, s22, s16, $0xb8;
	[tilespmem:$0x1E800] =	vst v63  }
0x59: {  	_ =	swait.ge [sflag:s14], $0x4000  }
0x5a: {  	[sflag:s14] =	ssyncset.done $0x0  }
0x5b: {  	[sflag:s14] =	ssyncadd.s32 $0xFFFFC000  }
0x5c: {  	_ =	swait.ge [sflag:s20], $0x4000  }
0x5d: {  	[sflag:s20] =	ssyncset.done $0x0  }
0x5e: {  	[sflag:s20] =	ssyncadd.s32 $0xFFFFC000  }
0x5f: {  	[spmem:s2] =	stream.indirect.scatter.add.f32 [tilespmem:s18], [sflag:$0x3], $0x80, s23, s16, $0xb8;
	[tilespmem:$0x1E800] =	vst v63  }
0x60: {  	_ =	swait.ge [sflag:s14], $0x4000  }
0x61: {  	[sflag:s14] =	ssyncset.done $0x0  }
0x62: {  	s26 =	simm.s32 $0x0;
	[sflag:s14] =	ssyncadd.s32 $0xFFFFC000  }
0x63: {  	[tilespmem:s26], [sflag:$0x3] =	stream.linear.gather [hbm4b:s9+s26], $0x1400, $0x38;
	[tilespmem:$0x1E800] =	vst v63  }
0x64: {  	_ =	swait.ge [sflag:s14], $0x1400  }
0x65: {  	[sflag:s14] =	ssyncset.done $0x0  }
0x66: {  	[sflag:s14] =	ssyncadd.s32 $0xFFFFEC00  }
0x67: {  	[tilespmem:s15], [sflag:$0x3] =	stream.linear.gather [hbm4b:s10+s26], $0x1400, $0x38;
	[tilespmem:$0x1E800] =	vst v63  }
0x68: {  	_ =	swait.ge [sflag:s14], $0x1400  }
0x69: {  	[sflag:s14] =	ssyncset.done $0x0  }
0x6a: {  	[sflag:s14] =	ssyncadd.s32 $0xFFFFEC00  }
0x6b: {  	[tilespmem:s17], [sflag:$0x1] =	stream.indirect.gather [hbm4b:s4+s16], $0x80, s26, s16, $0xb8;
	[tilespmem:$0x1E800] =	vst v63  }
0x6c: {  	s28 =	simm.s32 $0x80  }
0x6d: {  	[tilespmem:s18], [sflag:$0x2] =	stream.indirect.gather [hbm4b:s4+s16], $0x80, s28, s16, $0xb8;
	[tilespmem:$0x1E800] =	vst v63  }
0x6e: {  	_ =	swait.ge [sflag:s19], $0x4000  }
0x6f: {  	[sflag:s19] =	ssyncset.done $0x0  }
0x70: {  	s29 =	simm.s32 $0x1400;
	[sflag:s19] =	ssyncadd.s32 $0xFFFFC000  }
0x71: {  	[spmem:s2] =	stream.indirect.scatter.add.f32 [tilespmem:s17], [sflag:$0x3], $0x80, s29, s16, $0xb8;
	[tilespmem:$0x1E800] =	vst v63  }
0x72: {  	_ =	swait.ge [sflag:s14], $0x4000  }
0x73: {  	[sflag:s14] =	ssyncset.done $0x0  }
0x74: {  	s30 =	simm.s32 $0x100;
	[sflag:s14] =	ssyncadd.s32 $0xFFFFC000  }
0x75: {  	[tilespmem:s17], [sflag:$0x1] =	stream.indirect.gather [hbm4b:s4+s16], $0x80, s30, s16, $0xb8;
	[tilespmem:$0x1E800] =	vst v63  }
0x76: {  	_ =	swait.ge [sflag:s20], $0x4000  }
0x77: {  	[sflag:s20] =	ssyncset.done $0x0  }
0x78: {  	s31 =	simm.s32 $0x1480;
	[sflag:s20] =	ssyncadd.s32 $0xFFFFC000  }
0x79: {  	[spmem:s2] =	stream.indirect.scatter.add.f32 [tilespmem:s18], [sflag:$0x3], $0x80, s31, s16, $0xb8;
	[tilespmem:$0x1E800] =	vst v63  }
0x7a: {  	_ =	swait.ge [sflag:s14], $0x4000  }
0x7b: {  	s25 =	simm.s32 $0x100;
	s26 =	simm.s32 $0x800;
	[sflag:s14] =	ssyncset.done $0x0  }
.LBB2_4:
0x7c: {  	s28 =	sadd.s32 $0x80, s25  }
0x7d: {  	[sflag:s14] =	ssyncadd.s32 $0xFFFFC000;
	s29 =	smov.u32 s26;
	s30 =	sadd.s32 $0x400, s26  }
0x7e: {  	[tilespmem:s18], [sflag:$0x2] =	stream.indirect.gather [hbm4b:s4+s16], $0x80, s28, s16, $0xb8;
	[tilespmem:$0x1E800] =	vst v63  }
0x7f: {  	p0 =	sne.s32 s26, $0x4800;
	_ =	swait.ge [sflag:s19], $0x4000  }
0x80: {  	[sflag:s19] =	ssyncset.done $0x0  }
0x81: {  	s26 =	sadd.s32 $0x1400, s25;
	[sflag:s19] =	ssyncadd.s32 $0xFFFFC000  }
0x82: {  	[spmem:s2] =	stream.indirect.scatter.add.f32 [tilespmem:s17], [sflag:$0x3], $0x80, s26, s16, $0xb8;
	[tilespmem:$0x1E800] =	vst v63  }
0x83: {  	_ =	swait.ge [sflag:s14], $0x4000  }
0x84: {  	[sflag:s14] =	ssyncset.done $0x0  }
0x85: {  	s26 =	sadd.s32 $0x100, s25;
	[sflag:s14] =	ssyncadd.s32 $0xFFFFC000  }
0x86: {  	[tilespmem:s17], [sflag:$0x1] =	stream.indirect.gather [hbm4b:s4+s16], $0x80, s26, s16, $0xb8;
	[tilespmem:$0x1E800] =	vst v63  }
0x87: {  	_ =	swait.ge [sflag:s20], $0x4000  }
.Ltmp1:
0x88: {  	[sflag:s20] =	ssyncset.done $0x0;
	(pc) =	sbr.rel @p0 .LBB2_4-.Ltmp1, $4  }
0x89: {  	s25 =	sadd.s32 $0x1480, s25;
	[sflag:s20] =	ssyncadd.s32 $0xFFFFC000  }
0x8a: {  	[spmem:s2] =	stream.indirect.scatter.add.f32 [tilespmem:s18], [sflag:$0x3], $0x80, s25, s16, $0xb8;
	[tilespmem:$0x1E800] =	vst v63  }
0x8b: {  	_ =	swait.ge [sflag:s14], $0x4000  }
0x8c: {  	s26 =	smov.u32 s30;
	s25 =	sshra.s32 s29, $0x2;
	[sflag:s14] =	ssyncset.done $0x0  }
0x8d: {  	s26 =	sadd.s32 $0x80, s25;
	[sflag:s14] =	ssyncadd.s32 $0xFFFFC000  }
0x8e: {  	[tilespmem:s18], [sflag:$0x2] =	stream.indirect.gather [hbm4b:s4+s16], $0x80, s26, s16, $0xb8;
	[tilespmem:$0x1E800] =	vst v63  }
0x8f: {  	_ =	swait.ge [sflag:s19], $0x4000  }
0x90: {  	[sflag:s19] =	ssyncset.done $0x0  }
0x91: {  	s29 =	sadd.s32 $0x1400, s25;
	[sflag:s19] =	ssyncadd.s32 $0xFFFFC000  }
0x92: {  	[spmem:s2] =	stream.indirect.scatter.add.f32 [tilespmem:s17], [sflag:$0x3], $0x80, s29, s16, $0xb8;
	[tilespmem:$0x1E800] =	vst v63  }
0x93: {  	_ =	swait.ge [sflag:s14], $0x4000  }
0x94: {  	[sflag:s14] =	ssyncset.done $0x0  }
0x95: {  	s30 =	sadd.s32 $0x100, s25;
	[sflag:s14] =	ssyncadd.s32 $0xFFFFC000  }
0x96: {  	[tilespmem:s17], [sflag:$0x1] =	stream.indirect.gather [hbm4b:s4+s16], $0x80, s30, s16, $0xb8;
	[tilespmem:$0x1E800] =	vst v63  }
0x97: {  	_ =	swait.ge [sflag:s20], $0x4000  }
0x98: {  	[sflag:s20] =	ssyncset.done $0x0  }
0x99: {  	s31 =	sadd.s32 $0x1480, s25;
	[sflag:s20] =	ssyncadd.s32 $0xFFFFC000  }
0x9a: {  	[spmem:s2] =	stream.indirect.scatter.add.f32 [tilespmem:s18], [sflag:$0x3], $0x80, s31, s16, $0xb8;
	[tilespmem:$0x1E800] =	vst v63  }
0x9b: {  	_ =	swait.ge [sflag:s14], $0x4000  }
0x9c: {  	[sflag:s14] =	ssyncset.done $0x0  }
0x9d: {  	[sflag:s14] =	ssyncadd.s32 $0xFFFFC000  }
0x9e: {  	[tilespmem:s18], [sflag:$0x2] =	stream.indirect.gather [hbm4b:s4+s16], $0x80, s21, s16, $0xb8;
	[tilespmem:$0x1E800] =	vst v63  }
0x9f: {  	_ =	swait.ge [sflag:s19], $0x4000  }
0xa0: {  	[sflag:s19] =	ssyncset.done $0x0  }
0xa1: {  	[sflag:s19] =	ssyncadd.s32 $0xFFFFC000  }
0xa2: {  	[spmem:s2] =	stream.indirect.scatter.add.f32 [tilespmem:s17], [sflag:$0x3], $0x80, s22, s16, $0xb8;
	[tilespmem:$0x1E800] =	vst v63  }
0xa3: {  	_ =	swait.ge [sflag:s14], $0x4000  }
0xa4: {  	[sflag:s14] =	ssyncset.done $0x0  }
0xa5: {  	[sflag:s14] =	ssyncadd.s32 $0xFFFFC000  }
0xa6: {  	_ =	swait.ge [sflag:s20], $0x4000  }
0xa7: {  	[sflag:s20] =	ssyncset.done $0x0  }
0xa8: {  	[sflag:s20] =	ssyncadd.s32 $0xFFFFC000  }
0xa9: {  	[spmem:s2] =	stream.indirect.scatter.add.f32 [tilespmem:s18], [sflag:$0x3], $0x80, s23, s16, $0xb8;
	[tilespmem:$0x1E800] =	vst v63  }
0xaa: {  	_ =	swait.ge [sflag:s14], $0x4000  }
0xab: {  	s24 =	sadd.s32 $0x1, s24;
	[sflag:s14] =	ssyncset.done $0x0  }
0xac: {  	p0 =	sne.s32 s24, s12;
	[sflag:s14] =	ssyncadd.s32 $0xFFFFC000  }
.Ltmp2:
0xad: {  	[bflag:$0x0] =	sbarrier.arrive $0xFFFF;
	(pc) =	sbr.rel @p0 .LBB2_1-.Ltmp2, $4  }
0xae: {  	[hbm:s11], [sflag:s6] =	dma.local [spmem:s13], $0x2800  }
0xaf: {  	_ =	swait.ge [sflag:s14], $0x2800  }
0xb0: {  	[sflag:s14] =	ssyncset.done $0x0  }
0xb1: {  	[sflag:s14] =	ssyncadd.s32 $0xFFFFD800  }
0xb2: {  	_ =	sfence.sel $0x180000  }
0xb3: {  	[bflag:$0x0] =	sbarrier.arrive $0xFFFF  }
0xb4: {  	p0 =	sne.s32 s1, $0x0;
	_ =	strace $0x9000004A  }
0xb5: {  	s0 =	sadd.s32 @!p0 $0x100000, s0;
	[bflag:$0x2] =	sbarrier.arrive $0xFFFF  }
0xb6: {  	[sflag:s0] =	ssyncadd.tile.s32 @!p0 $0x1;
	_ =	shalt  }
.Lfunc_end2:
_tile_overlayer_lowered:
.L_overlay_start_2:
0xb7: {  	(tag) =	ssettag $0x2  }
0xb8: {  	s0 =	rddreg [dreg:$0x0];
	s2 =	stileid.u32  }
0xb9: {  	s1 =	rddreg [dreg:$0x1];
	p0 =	sne.s32 s2, $0x0  }
0xba: {  	s3 =	rddreg [dreg:$0x2];
	[bflag:$0x3] =	sbarrier.arrive $0xFFFF;
	s2 =	simm.s32 @!p0 $0x1C03  }
0xbb: {  	[timem:s3], [sflag:s2] =	dma.local @!p0 [hbm:s0], s1  }
0xbc: {  	s0 =	simm.s32 @!p0 $0x3  }
0xbd: {  	_ =	swait.ge @!p0 [sflag:s0], s1  }
0xbe: {  	s1 =	ssub.s32 @!p0 $0x0, s1;
	[sflag:s0] =	ssyncset.done @!p0 $0x0  }
0xbf: {  	[sflag:s0] =	ssyncadd.s32 @!p0 s1  }
0xc0: {  	[bflag:$0x3] =	sbarrier.arrive $0xFFFF  }
0xc1: {  	_ =	shalt  }

// kernel: kernel.14.cloned.1.call-start
scs
__scs_entry_jumppad:
0x0: {  	(pc) =	sbr.rel $0x88, $3  }
0x1: {  	(tag) =	ssettag $0x0;
	lr =	simm.s32 $0x1  }
0x2: {  	[smem:$0x3F95] =	sst lr;
	_ =	strace $0xD0000000  }
0x3: {  	_ = 	snop  }
0x4: {  	_ = 	snop  }
0x5: {  	_ = 	snop  }
0x6: {  	_ = 	snop  }
0x7: {  	_ = 	snop  }
__scs_overlays_trampoline_lowered:
0x8: {  	[smem:$0x3FA4] =	sst s0  }
0x9: {  	[smem:$0x3FA5] =	sst s1  }
0xa: {  	[smem:$0x3FA6] =	sst s2  }
0xb: {  	[smem:$0x3FA7] =	sst s3  }
0xc: {  	[smem:$0x3FA8] =	sst s4  }
0xd: {  	[smem:$0x3FA9] =	sst s5  }
0xe: {  	[smem:$0x3FAA] =	sst s6  }
0xf: {  	[smem:$0x3FAB] =	sst s7  }
0x10: {  	[smem:$0x3FAC] =	sst s8  }
0x11: {  	[smem:$0x3FAD] =	sst s9;
	s0 =	simm.s32 @!p0 $0x0  }
0x12: {  	s1 =	sld [smem:$0x3F93];
	s0 =	simm.s32 @p0 $0x1  }
0x13: {  	[smem:$0x3FAE] =	sst s0;
	s0 =	simm.s32 @!p1 $0x0  }
0x14: {  	s2 =	sld [smem:$0x3F92];
	s0 =	simm.s32 @p1 $0x1  }
0x15: {  	[smem:$0x3FAF] =	sst s0;
	s0 =	simm.s32 @!p2 $0x0  }
0x16: {  	s3 =	sld [smem:$0x3FDB];
	s0 =	simm.s32 @p2 $0x1  }
0x17: {  	s4 =	simm.s32 $0x1BF5;
	[smem:$0x3FB1] =	sst s0  }
0x18: {  	s0 =	sld [smem:$0x3F94];
	_ =	swait.ge [sflag:s4], $0x0  }
0x19: {  	s7 =	sld [smem:$0x3F95]  }
0x1a: {  	s8 =	sadd.s32 $0xFFFFE003, lr  }
0x1b: {  	s9 =	sadd.s32 $0xFFFFFEF7, lr;
	s5 =	simm.s32 $0xFFFFFFFF;
	p2 =	slt.u32 s8, $0xFFFFF086  }
0x1c: {  	p1 =	slt.u32 s9, $0xF7A;
	s5 =	simm.s32 @!p2 $0x0  }
0x1d: {  	s5 =	simm.s32 @p1 $0x1;
	p0 =	seq.s32 s7, s2  }
0x1e: {  	s7 =	smul.u32 @!p0 $0xF7A, s2;
	p2 =	seq.s32 @!p0 s5, $0x0  }
0x1f: {  	s9 =	smul.u32 $0xF7A, s1;
	s8 =	simm.s32 @!p0 $0x1BF5;
	p2 =	por !p2, p0  }
0x20: {  	[sflag:s8] =	ssyncset.s32 @!p0 $0xFFFFF086;
	s6 =	sadd.s32 @!p0 s3, s7;
	s7 =	simm.s32 @!p0 $0x108  }
0x21: {  	s3 =	sadd.s32 s3, s9;
	s6 =	sadd.s32 @!p0 $0x88, s6;
	s7 =	simm.s32 @p2 $0x1082  }
0x22: {  	[simem:s7], [sflag:s8] =	dma.local @!p0 [hbm:s6], $0xF7A  }
0x23: {  	s9 =	sor.u32 $0xD0000000, s2;
	s6 =	simm.s32 $0x108;
	_ =	swait.ge @!p0 [sflag:s8], $0x0  }
0x24: {  	s3 =	sadd.s32 $0x88, s3;
	s6 =	simm.s32 @!p1 $0x1082;
	[sflag:s4] =	ssyncset.s32 $0xFFFFF086  }
0x25: {  	[simem:s6], [sflag:s4] =	dma.local [hbm:s3], $0xF7A  }
0x26: {  	[smem:$0x3F95] =	sst s1;
	(tag) =	ssettag s2;
	_ =	strace s9  }
0x27: {  	s1 =	sld [smem:$0x3FA5]  }
0x28: {  	s2 =	sld [smem:$0x3FA6]  }
0x29: {  	s4 =	sld [smem:$0x3FA8]  }
0x2a: {  	p0 =	seq.s32 s5, $0x0;
	s5 =	sld [smem:$0x3FA9]  }
0x2b: {  	s6 =	sld [smem:$0x3FAA]  }
0x2c: {  	s7 =	sld [smem:$0x3FAB]  }
0x2d: {  	s3 =	simm.s32 $0x108;
	s8 =	sld [smem:$0x3FAC]  }
0x2e: {  	s3 =	simm.s32 @!p0 $0x1082;
	s9 =	sld [smem:$0x3FAD]  }
0x2f: {  	lr =	sadd.s32 s0, s3;
	s0 =	sld [smem:$0x3FA4]  }
0x30: {  	s3 =	sld [smem:$0x3FA7]  }
0x31: {  	[smem:$0x3FB0] =	sst s10  }
0x32: {  	s10 =	sld [smem:$0x3FAE];
	_ =	sdelay $0x3  }
0x33: {  	p0 =	seq.s32 s10, $0x1;
	s10 =	sld [smem:$0x3FB0];
	_ =	sdelay $0x3  }
0x34: {  	[smem:$0x3FB0] =	sst s10  }
0x35: {  	s10 =	sld [smem:$0x3FAF];
	_ =	sdelay $0x3  }
0x36: {  	p1 =	seq.s32 s10, $0x1;
	s10 =	sld [smem:$0x3FB0];
	_ =	sdelay $0x3  }
0x37: {  	[smem:$0x3FB0] =	sst s10  }
0x38: {  	s10 =	sld [smem:$0x3FB1]  }
0x39: {  	_ = 	snop;
	(pc) =	sbr.ind lr, $3  }
0x3a: {  	_ = 	snop  }
0x3b: {  	_ = 	snop  }
0x3c: {  	p2 =	seq.s32 s10, $0x1;
	s10 =	sld [smem:$0x3FB0]  }
0x3d: {  	_ =	shalt  }
0x3e: {  	_ =	shalt  }
0x3f: {  	_ =	shalt  }
0x40: {  	_ =	shalt  }
0x41: {  	_ =	shalt  }
0x42: {  	_ =	shalt  }
0x43: {  	_ =	shalt  }
0x44: {  	_ =	shalt  }
0x45: {  	_ =	shalt  }
0x46: {  	_ =	shalt  }
0x47: {  	_ =	shalt  }
0x48: {  	_ =	shalt  }
0x49: {  	_ =	shalt  }
0x4a: {  	_ =	shalt  }
0x4b: {  	_ =	shalt  }
0x4c: {  	_ =	shalt  }
0x4d: {  	_ =	shalt  }
0x4e: {  	_ =	shalt  }
0x4f: {  	_ =	shalt  }
0x50: {  	_ =	shalt  }
0x51: {  	_ =	shalt  }
0x52: {  	_ =	shalt  }
0x53: {  	_ =	shalt  }
0x54: {  	_ =	shalt  }
0x55: {  	_ =	shalt  }
0x56: {  	_ =	shalt  }
0x57: {  	_ =	shalt  }
0x58: {  	_ =	shalt  }
0x59: {  	_ =	shalt  }
0x5a: {  	_ =	shalt  }
0x5b: {  	_ =	shalt  }
0x5c: {  	_ =	shalt  }
0x5d: {  	_ =	shalt  }
0x5e: {  	_ =	shalt  }
0x5f: {  	_ =	shalt  }
0x60: {  	_ =	shalt  }
0x61: {  	_ =	shalt  }
0x62: {  	_ =	shalt  }
0x63: {  	_ =	shalt  }
0x64: {  	_ =	shalt  }
0x65: {  	_ =	shalt  }
0x66: {  	_ =	shalt  }
0x67: {  	_ =	shalt  }
0x68: {  	_ =	shalt  }
0x69: {  	_ =	shalt  }
0x6a: {  	_ =	shalt  }
0x6b: {  	_ =	shalt  }
0x6c: {  	_ =	shalt  }
0x6d: {  	_ =	shalt  }
0x6e: {  	_ =	shalt  }
0x6f: {  	_ =	shalt  }
0x70: {  	_ =	shalt  }
0x71: {  	_ =	shalt  }
0x72: {  	_ =	shalt  }
0x73: {  	_ =	shalt  }
0x74: {  	_ =	shalt  }
0x75: {  	_ =	shalt  }
0x76: {  	_ =	shalt  }
0x77: {  	_ =	shalt  }
0x78: {  	_ =	shalt  }
0x79: {  	_ =	shalt  }
0x7a: {  	_ =	shalt  }
0x7b: {  	_ =	shalt  }
0x7c: {  	_ =	shalt  }
0x7d: {  	_ =	shalt  }
0x7e: {  	_ =	shalt  }
0x7f: {  	_ =	shalt  }
0x80: {  	_ =	shalt  }
0x81: {  	_ =	shalt  }
0x82: {  	_ =	shalt  }
0x83: {  	_ =	shalt  }
0x84: {  	_ =	shalt  }
0x85: {  	_ =	shalt  }
0x86: {  	_ =	shalt  }
0x87: {  	_ =	shalt  }
.Lfunc_end0:
.L_simem_size_0:
called_computation.2_lowered:
.L_overlay_start_0:
0x88: {  	s2 =	sld [smem:$0x3FD9]  }
0x89: {  	s3 =	sld [smem:$0x3FFE];
	_ =	sdelay $0x1  }
0x8a: {  	s1 =	srdreg.scid  }
0x8b: {  	s0 =	sand.u32 $0x1, s1  }
0x8c: {  	s17 =	sshll.u32 s0, $0xA;
	s2 =	sadd.s32 s3, s2  }
0x8d: {  	s2 =	sadd.s32 s2, s17  }
0x8e: {  	[smem:$0x3FBC] =	sst s2  }
0x8f: {  	_ = 	snop  }
0x90: {  	s2 =	sld [smem:$0x3FD0];
	(tm) =	ssettm $0x1  }
0x91: {  	s18 =	sld [smem:$0x3FFB];
	_ =	sdelay $0x3  }
0x92: {  	_ =	strace s18  }
0x93: {  	s3 =	sld [smem:$0x3FFC];
	_ =	sdelay $0x3  }
0x94: {  	_ =	strace s3  }
0x95: {  	s3 =	sld [smem:$0x3FFD];
	_ =	sdelay $0x3  }
0x96: {  	_ =	strace s3  }
0x97: {  	_ =	strace $0x8FFFFFFF  }
0x98: {  	s19 =	sld [smem:$0x3FDB];
	_ =	sdelay $0x1  }
0x99: {  	s4 =	simm.s32 $_scs_section_size  }
0x9a: {  	s5 =	simm.s32 $_size__tile_overlayer_lowered;
	s6 =	simm.s32 $_tile_overlayer_lowered  }
0x9b: {  	s22 =	simm.s32 $0x1BFF;
	s21 =	sshll.u32 s6, $0x1;
	s3 =	sadd.s32 s4, s19  }
0x9c: {  	s7 =	simm.s32 $0x0;
	s20 =	sshll.u32 s5, $0x1;
	s5 =	sadd.s32 s21, s3  }
0x9d: {  	[timem:s7], [sflag:s22] =	dma.local [hbm:s5], s20  }
0x9e: {  	_ =	swait.ge [sflag:s22], s20  }
0x9f: {  	s4 =	ssub.s32 $0x0, s20;
	[sflag:s22] =	ssyncset.done $0x0  }
0xa0: {  	[sflag:s22] =	ssyncadd.s32 s4;
	_ =	sdelay $0x1  }
0xa1: {  	s23 =	simm.s32 $0x1B8B  }
0xa2: {  	_ =	swait.ge [sflag:s23], $0x1  }
0xa3: {  	[sflag:s23] =	ssyncset.done $0x0  }
0xa4: {  	s25 =	simm.s32 $0x1B8E;
	s24 =	sld [smem:$0x3FFE];
	[sflag:s23] =	ssyncadd.s32 $0xFFFFFFFF  }
0xa5: {  	s26 =	simm.s32 $execute0_lowered;
	[smem:$0x3FD2] =	sst s25  }
0xa6: {  	s5 =	sshll.u32 s26, $0x1;
	_ =	strace $0x8000004C;
	[dreg:$0x1] =	wrdreg $0xFFFFFFFF  }
0xa7: {  	s28 =	simm.s32 $_size_execute0_lowered;
	s3 =	sadd.s32 s3, s5;
	[dreg:$0x0] =	wrdreg $0x0  }
0xa8: {  	s5 =	sshll.u32 s28, $0x1;
	[dreg:$0x2] =	wrdreg s3  }
0xa9: {  	[dreg:$0x3] =	wrdreg s5  }
0xaa: {  	[dreg:$0x4] =	wrdreg $0xC0  }
0xab: {  	_ =	task [dreg:s7], $0x5FFFF  }
0xac: {  	[dreg:$0x1] =	wrdreg $0xFFFFFFFF  }
0xad: {  	[dreg:$0x0] =	wrdreg $0x60  }
0xae: {  	[dreg:$0x2] =	wrdreg s24  }
0xaf: {  	[dreg:$0x3] =	wrdreg s2  }
0xb0: {  	[dreg:$0x4] =	wrdreg $0xA8000  }
0xb1: {  	[dreg:$0x5] =	wrdreg $0x9  }
0xb2: {  	_ =	task.clear_ibuf [dreg:s7], $0x6FFFF;
	_ =	strace $0x9000004C  }
0xb3: {  	s29 =	simm.s32 $0x9;
	_ =	strace $0x8000004E  }
0xb4: {  	_ =	swait.ge [sflag:s29], $0x1  }
0xb5: {  	[sflag:s29] =	ssyncadd.s32 $0xFFFFFFFF  }
0xb6: {  	_ =	strace $0x9000004E  }
0xb7: {  	_ =	sfence  }
0xb8: {  	s30 =	sld [smem:$0x0];
	_ =	sdelay $0x2  }
0xb9: {  	s31 =	sshll.u32 s1, $0xD;
	s1 =	sshrl.u32 s1, $0x2  }
0xba: {  	s3 =	sand.u32 $0x4000, s31;
	s1 =	sadd.s32 s1, s30  }
0xbb: {  	s0 =	sor.u32 s3, s0;
	s1 =	sshll.u32 s1, $0x11  }
0xbc: {  	s0 =	sor.u32 s1, s0  }
0xbd: {  	s0 =	sadd.s32 $0x8F2B, s0  }
0xbe: {  	[sflag:s0] =	ssyncadd.remote.s32 $0x1  }
0xbf: {  	_ =	sfence.sel $0xFFFF  }
0xc0: {  	[dreg:$0x0] =	wrdreg $0xFFFFFFFF;
	(pc) =	sbr.abs _section_cstart, $3  }
0xc1: {  	[dreg:$0x1] =	wrdreg $0xFFFFFFFF  }
0xc2: {  	_ =	task.clear_ibuf [dreg:s7], $0x2FFFF;
	_ =	strace $0x9FFFFFFF  }
0xc3: {  	(tm) =	ssettm $0x7FFFFFFF  }
tec
execute0_lowered:
.L_overlay_start_1:
0x0: {  	(tag) =	ssettag $0x1  }
0x1: {  	s5 =	rddreg [dreg:$0x0]  }
0x2: {  	s9 =	rddreg [dreg:$0x1]  }
0x3: {  	s2 =	rddreg [dreg:$0x2]  }
0x4: {  	s0 =	rddreg [dreg:$0x3];
	s3 =	simm.s32 $0x0  }
0x5: {  	s1 =	stileid.u32;
	s4 =	srdreg.scid;
	s16 =	simm.s32 $0x80  }
0x6: {  	s17 =	simm.s32 $0x2800;
	s18 =	simm.s32 $0x6800;
	s19 =	simm.s32 $0x1  }
0x7: {  	s20 =	simm.s32 $0x2;
	s21 =	simm.s32 $0x1380;
	s22 =	simm.s32 $0x2700  }
0x8: {  	s23 =	simm.s32 $0x2780;
	s24 =	simm.s32 $0x0;
	[smem:$0x7FF] =	sst s3  }
0x9: {  	s6 =	smul.u32 $0x2800, s1;
	s7 =	sand.u32 $0x1, s4;
	s4 =	sadd.s32 $0x5E000, s5  }
0xa: {  	s10 =	sadd.s32 $0x4000, s5;
	s12 =	sshll.u32 s1, $0x1;
	s13 =	smul.u32 $0x50000, s1  }
0xb: {  	s28 =	sshll.u32 s1, $0x6;
	_ =	strace $0x8000004D;
	s8 =	smul.u32 $0x28000, s7  }
0xc: {  	s25 =	ssub.s32 $0x2, s7;
	s7 =	sor.u32 s7, s12;
	s11 =	sadd.s32 s6, s5  }
0xd: {  	s26 =	sshrl.u32 s25, $0x1;
	s13 =	sshrl.u32 s13, $0x2;
	s14 =	smul.u32 $0x2800, s7  }
0xe: {  	s29 =	smul.u32 $0x500, s7;
	s6 =	sadd.s32 s6, s8;
	s12 =	ssub.s32 s25, s26  }
0xf: {  	s13 =	sadd.s32 s13, s2;
	s15 =	sadd.s32 s6, s5;
	s30 =	sshrl.u32 s14, $0x3  }
0x10: {  	s5 =	sadd.s32 $0x86000, s11;
	s6 =	sor.u32 $0x1C03, s28;
	s7 =	sadd.s32 s9, s29  }
0x11: {  	s8 =	sadd.s32 s10, s29;
	s12 =	smax.u32 s12, $0x1;
	s13 =	sshrl.u32 s13, $0x3  }
0x12: {  	s14 =	simm.s32 $0x3;
	s31 =	sadd.s32 $0x280, s30;
	s11 =	sadd.s32 $0xAE000, s15  }
0x13: {  	s15 =	simm.s32 $0x1400;
	s9 =	sadd.s32 s9, s31;
	s10 =	sadd.s32 s10, s31  }
.LBB2_1:
0x14: {  	[spmem:s13], [sflag:s6] =	dma.local [hbm:s5], $0x2800  }
0x15: {  	_ =	swait.ge [sflag:s14], $0x2800  }
0x16: {  	[sflag:s14] =	ssyncset.done $0x0  }
0x17: {  	[sflag:s14] =	ssyncadd.s32 $0xFFFFD800  }
0x18: {  	[bflag:$0x0] =	sbarrier.arrive $0xFFFF  }
0x19: {  	[tilespmem:s3], [sflag:$0x3] =	stream.linear.gather [hbm4b:s7+s3], $0x1400, $0x38;
	[tilespmem:$0x1E800] =	vst v63  }
0x1a: {  	_ =	swait.ge [sflag:s14], $0x1400  }
0x1b: {  	[sflag:s14] =	ssyncset.done $0x0  }
0x1c: {  	[sflag:s14] =	ssyncadd.s32 $0xFFFFEC00  }
0x1d: {  	[tilespmem:s15], [sflag:$0x3] =	stream.linear.gather [hbm4b:s8+s3], $0x1400, $0x38;
	[tilespmem:$0x1E800] =	vst v63  }
0x1e: {  	_ =	swait.ge [sflag:s14], $0x1400  }
0x1f: {  	[sflag:s14] =	ssyncset.done $0x0  }
0x20: {  	[sflag:s14] =	ssyncadd.s32 $0xFFFFEC00  }
0x21: {  	[tilespmem:s17], [sflag:$0x1] =	stream.indirect.gather [hbm4b:s4+s16], $0x80, s3, s16, $0xb8;
	[tilespmem:$0x1E800] =	vst v63  }
0x22: {  	s25 =	simm.s32 $0x80  }
0x23: {  	[tilespmem:s18], [sflag:$0x2] =	stream.indirect.gather [hbm4b:s4+s16], $0x80, s25, s16, $0xb8;
	[tilespmem:$0x1E800] =	vst v63  }
0x24: {  	_ =	swait.ge [sflag:s19], $0x4000  }
0x25: {  	[sflag:s19] =	ssyncset.done $0x0  }
0x26: {  	s29 =	simm.s32 $0x1400;
	[sflag:s19] =	ssyncadd.s32 $0xFFFFC000  }
0x27: {  	[spmem:s2] =	stream.indirect.scatter.add.f32 [tilespmem:s17], [sflag:$0x3], $0x80, s29, s16, $0xb8;
	[tilespmem:$0x1E800] =	vst v63  }
0x28: {  	_ =	swait.ge [sflag:s14], $0x4000  }
0x29: {  	[sflag:s14] =	ssyncset.done $0x0  }
0x2a: {  	s30 =	simm.s32 $0x100;
	[sflag:s14] =	ssyncadd.s32 $0xFFFFC000  }
0x2b: {  	[tilespmem:s17], [sflag:$0x1] =	stream.indirect.gather [hbm4b:s4+s16], $0x80, s30, s16, $0xb8;
	[tilespmem:$0x1E800] =	vst v63  }
0x2c: {  	_ =	swait.ge [sflag:s20], $0x4000  }
0x2d: {  	[sflag:s20] =	ssyncset.done $0x0  }
0x2e: {  	s31 =	simm.s32 $0x1480;
	[sflag:s20] =	ssyncadd.s32 $0xFFFFC000  }
0x2f: {  	[spmem:s2] =	stream.indirect.scatter.add.f32 [tilespmem:s18], [sflag:$0x3], $0x80, s31, s16, $0xb8;
	[tilespmem:$0x1E800] =	vst v63  }
0x30: {  	_ =	swait.ge [sflag:s14], $0x4000  }
0x31: {  	s26 =	simm.s32 $0x800;
	s25 =	simm.s32 $0x100;
	[sflag:s14] =	ssyncset.done $0x0  }
.LBB2_2:
0x32: {  	s28 =	sadd.s32 $0x80, s25  }
0x33: {  	[sflag:s14] =	ssyncadd.s32 $0xFFFFC000;
	s29 =	smov.u32 s26;
	s30 =	sadd.s32 $0x400, s26  }
0x34: {  	[tilespmem:s18], [sflag:$0x2] =	stream.indirect.gather [hbm4b:s4+s16], $0x80, s28, s16, $0xb8;
	[tilespmem:$0x1E800] =	vst v63  }
0x35: {  	p0 =	sne.s32 s26, $0x4800;
	_ =	swait.ge [sflag:s19], $0x4000  }
0x36: {  	[sflag:s19] =	ssyncset.done $0x0  }
0x37: {  	s26 =	sadd.s32 $0x1400, s25;
	[sflag:s19] =	ssyncadd.s32 $0xFFFFC000  }
0x38: {  	[spmem:s2] =	stream.indirect.scatter.add.f32 [tilespmem:s17], [sflag:$0x3], $0x80, s26, s16, $0xb8;
	[tilespmem:$0x1E800] =	vst v63  }
0x39: {  	_ =	swait.ge [sflag:s14], $0x4000  }
0x3a: {  	[sflag:s14] =	ssyncset.done $0x0  }
0x3b: {  	s26 =	sadd.s32 $0x100, s25;
	[sflag:s14] =	ssyncadd.s32 $0xFFFFC000  }
0x3c: {  	[tilespmem:s17], [sflag:$0x1] =	stream.indirect.gather [hbm4b:s4+s16], $0x80, s26, s16, $0xb8;
	[tilespmem:$0x1E800] =	vst v63  }
0x3d: {  	_ =	swait.ge [sflag:s20], $0x4000  }
.Ltmp0:
0x3e: {  	[sflag:s20] =	ssyncset.done $0x0;
	(pc) =	sbr.rel @p0 .LBB2_2-.Ltmp0, $4  }
0x3f: {  	s25 =	sadd.s32 $0x1480, s25;
	[sflag:s20] =	ssyncadd.s32 $0xFFFFC000  }
0x40: {  	[spmem:s2] =	stream.indirect.scatter.add.f32 [tilespmem:s18], [sflag:$0x3], $0x80, s25, s16, $0xb8;
	[tilespmem:$0x1E800] =	vst v63  }
0x41: {  	_ =	swait.ge [sflag:s14], $0x4000  }
0x42: {  	s26 =	smov.u32 s30;
	s25 =	sshra.s32 s29, $0x2;
	[sflag:s14] =	ssyncset.done $0x0  }
0x43: {  	s26 =	sadd.s32 $0x80, s25;
	[sflag:s14] =	ssyncadd.s32 $0xFFFFC000  }
0x44: {  	[tilespmem:s18], [sflag:$0x2] =	stream.indirect.gather [hbm4b:s4+s16], $0x80, s26, s16, $0xb8;
	[tilespmem:$0x1E800] =	vst v63  }
0x45: {  	_ =	swait.ge [sflag:s19], $0x4000  }
0x46: {  	[sflag:s19] =	ssyncset.done $0x0  }
0x47: {  	s29 =	sadd.s32 $0x1400, s25;
	[sflag:s19] =	ssyncadd.s32 $0xFFFFC000  }
0x48: {  	[spmem:s2] =	stream.indirect.scatter.add.f32 [tilespmem:s17], [sflag:$0x3], $0x80, s29, s16, $0xb8;
	[tilespmem:$0x1E800] =	vst v63  }
0x49: {  	_ =	swait.ge [sflag:s14], $0x4000  }
0x4a: {  	[sflag:s14] =	ssyncset.done $0x0  }
0x4b: {  	s30 =	sadd.s32 $0x100, s25;
	[sflag:s14] =	ssyncadd.s32 $0xFFFFC000  }
0x4c: {  	[tilespmem:s17], [sflag:$0x1] =	stream.indirect.gather [hbm4b:s4+s16], $0x80, s30, s16, $0xb8;
	[tilespmem:$0x1E800] =	vst v63  }
0x4d: {  	_ =	swait.ge [sflag:s20], $0x4000  }
0x4e: {  	[sflag:s20] =	ssyncset.done $0x0  }
0x4f: {  	s31 =	sadd.s32 $0x1480, s25;
	[sflag:s20] =	ssyncadd.s32 $0xFFFFC000  }
0x50: {  	[spmem:s2] =	stream.indirect.scatter.add.f32 [tilespmem:s18], [sflag:$0x3], $0x80, s31, s16, $0xb8;
	[tilespmem:$0x1E800] =	vst v63  }
0x51: {  	_ =	swait.ge [sflag:s14], $0x4000  }
0x52: {  	[sflag:s14] =	ssyncset.done $0x0  }
0x53: {  	[sflag:s14] =	ssyncadd.s32 $0xFFFFC000  }
0x54: {  	[tilespmem:s18], [sflag:$0x2] =	stream.indirect.gather [hbm4b:s4+s16], $0x80, s21, s16, $0xb8;
	[tilespmem:$0x1E800] =	vst v63  }
0x55: {  	_ =	swait.ge [sflag:s19], $0x4000  }
0x56: {  	[sflag:s19] =	ssyncset.done $0x0  }
0x57: {  	[sflag:s19] =	ssyncadd.s32 $0xFFFFC000  }
0x58: {  	[spmem:s2] =	stream.indirect.scatter.add.f32 [tilespmem:s17], [sflag:$0x3], $0x80, s22, s16, $0xb8;
	[tilespmem:$0x1E800] =	vst v63  }
0x59: {  	_ =	swait.ge [sflag:s14], $0x4000  }
0x5a: {  	[sflag:s14] =	ssyncset.done $0x0  }
0x5b: {  	[sflag:s14] =	ssyncadd.s32 $0xFFFFC000  }
0x5c: {  	_ =	swait.ge [sflag:s20], $0x4000  }
0x5d: {  	[sflag:s20] =	ssyncset.done $0x0  }
0x5e: {  	[sflag:s20] =	ssyncadd.s32 $0xFFFFC000  }
0x5f: {  	[spmem:s2] =	stream.indirect.scatter.add.f32 [tilespmem:s18], [sflag:$0x3], $0x80, s23, s16, $0xb8;
	[tilespmem:$0x1E800] =	vst v63  }
0x60: {  	_ =	swait.ge [sflag:s14], $0x4000  }
0x61: {  	[sflag:s14] =	ssyncset.done $0x0  }
0x62: {  	s26 =	simm.s32 $0x0;
	[sflag:s14] =	ssyncadd.s32 $0xFFFFC000  }
0x63: {  	[tilespmem:s26], [sflag:$0x3] =	stream.linear.gather [hbm4b:s9+s26], $0x1400, $0x38;
	[tilespmem:$0x1E800] =	vst v63  }
0x64: {  	_ =	swait.ge [sflag:s14], $0x1400  }
0x65: {  	[sflag:s14] =	ssyncset.done $0x0  }
0x66: {  	[sflag:s14] =	ssyncadd.s32 $0xFFFFEC00  }
0x67: {  	[tilespmem:s15], [sflag:$0x3] =	stream.linear.gather [hbm4b:s10+s26], $0x1400, $0x38;
	[tilespmem:$0x1E800] =	vst v63  }
0x68: {  	_ =	swait.ge [sflag:s14], $0x1400  }
0x69: {  	[sflag:s14] =	ssyncset.done $0x0  }
0x6a: {  	[sflag:s14] =	ssyncadd.s32 $0xFFFFEC00  }
0x6b: {  	[tilespmem:s17], [sflag:$0x1] =	stream.indirect.gather [hbm4b:s4+s16], $0x80, s26, s16, $0xb8;
	[tilespmem:$0x1E800] =	vst v63  }
0x6c: {  	s28 =	simm.s32 $0x80  }
0x6d: {  	[tilespmem:s18], [sflag:$0x2] =	stream.indirect.gather [hbm4b:s4+s16], $0x80, s28, s16, $0xb8;
	[tilespmem:$0x1E800] =	vst v63  }
0x6e: {  	_ =	swait.ge [sflag:s19], $0x4000  }
0x6f: {  	[sflag:s19] =	ssyncset.done $0x0  }
0x70: {  	s29 =	simm.s32 $0x1400;
	[sflag:s19] =	ssyncadd.s32 $0xFFFFC000  }
0x71: {  	[spmem:s2] =	stream.indirect.scatter.add.f32 [tilespmem:s17], [sflag:$0x3], $0x80, s29, s16, $0xb8;
	[tilespmem:$0x1E800] =	vst v63  }
0x72: {  	_ =	swait.ge [sflag:s14], $0x4000  }
0x73: {  	[sflag:s14] =	ssyncset.done $0x0  }
0x74: {  	s30 =	simm.s32 $0x100;
	[sflag:s14] =	ssyncadd.s32 $0xFFFFC000  }
0x75: {  	[tilespmem:s17], [sflag:$0x1] =	stream.indirect.gather [hbm4b:s4+s16], $0x80, s30, s16, $0xb8;
	[tilespmem:$0x1E800] =	vst v63  }
0x76: {  	_ =	swait.ge [sflag:s20], $0x4000  }
0x77: {  	[sflag:s20] =	ssyncset.done $0x0  }
0x78: {  	s31 =	simm.s32 $0x1480;
	[sflag:s20] =	ssyncadd.s32 $0xFFFFC000  }
0x79: {  	[spmem:s2] =	stream.indirect.scatter.add.f32 [tilespmem:s18], [sflag:$0x3], $0x80, s31, s16, $0xb8;
	[tilespmem:$0x1E800] =	vst v63  }
0x7a: {  	_ =	swait.ge [sflag:s14], $0x4000  }
0x7b: {  	s25 =	simm.s32 $0x100;
	s26 =	simm.s32 $0x800;
	[sflag:s14] =	ssyncset.done $0x0  }
.LBB2_4:
0x7c: {  	s28 =	sadd.s32 $0x80, s25  }
0x7d: {  	[sflag:s14] =	ssyncadd.s32 $0xFFFFC000;
	s29 =	smov.u32 s26;
	s30 =	sadd.s32 $0x400, s26  }
0x7e: {  	[tilespmem:s18], [sflag:$0x2] =	stream.indirect.gather [hbm4b:s4+s16], $0x80, s28, s16, $0xb8;
	[tilespmem:$0x1E800] =	vst v63  }
0x7f: {  	p0 =	sne.s32 s26, $0x4800;
	_ =	swait.ge [sflag:s19], $0x4000  }
0x80: {  	[sflag:s19] =	ssyncset.done $0x0  }
0x81: {  	s26 =	sadd.s32 $0x1400, s25;
	[sflag:s19] =	ssyncadd.s32 $0xFFFFC000  }
0x82: {  	[spmem:s2] =	stream.indirect.scatter.add.f32 [tilespmem:s17], [sflag:$0x3], $0x80, s26, s16, $0xb8;
	[tilespmem:$0x1E800] =	vst v63  }
0x83: {  	_ =	swait.ge [sflag:s14], $0x4000  }
0x84: {  	[sflag:s14] =	ssyncset.done $0x0  }
0x85: {  	s26 =	sadd.s32 $0x100, s25;
	[sflag:s14] =	ssyncadd.s32 $0xFFFFC000  }
0x86: {  	[tilespmem:s17], [sflag:$0x1] =	stream.indirect.gather [hbm4b:s4+s16], $0x80, s26, s16, $0xb8;
	[tilespmem:$0x1E800] =	vst v63  }
0x87: {  	_ =	swait.ge [sflag:s20], $0x4000  }
.Ltmp1:
0x88: {  	[sflag:s20] =	ssyncset.done $0x0;
	(pc) =	sbr.rel @p0 .LBB2_4-.Ltmp1, $4  }
0x89: {  	s25 =	sadd.s32 $0x1480, s25;
	[sflag:s20] =	ssyncadd.s32 $0xFFFFC000  }
0x8a: {  	[spmem:s2] =	stream.indirect.scatter.add.f32 [tilespmem:s18], [sflag:$0x3], $0x80, s25, s16, $0xb8;
	[tilespmem:$0x1E800] =	vst v63  }
0x8b: {  	_ =	swait.ge [sflag:s14], $0x4000  }
0x8c: {  	s26 =	smov.u32 s30;
	s25 =	sshra.s32 s29, $0x2;
	[sflag:s14] =	ssyncset.done $0x0  }
0x8d: {  	s26 =	sadd.s32 $0x80, s25;
	[sflag:s14] =	ssyncadd.s32 $0xFFFFC000  }
0x8e: {  	[tilespmem:s18], [sflag:$0x2] =	stream.indirect.gather [hbm4b:s4+s16], $0x80, s26, s16, $0xb8;
	[tilespmem:$0x1E800] =	vst v63  }
0x8f: {  	_ =	swait.ge [sflag:s19], $0x4000  }
0x90: {  	[sflag:s19] =	ssyncset.done $0x0  }
0x91: {  	s29 =	sadd.s32 $0x1400, s25;
	[sflag:s19] =	ssyncadd.s32 $0xFFFFC000  }
0x92: {  	[spmem:s2] =	stream.indirect.scatter.add.f32 [tilespmem:s17], [sflag:$0x3], $0x80, s29, s16, $0xb8;
	[tilespmem:$0x1E800] =	vst v63  }
0x93: {  	_ =	swait.ge [sflag:s14], $0x4000  }
0x94: {  	[sflag:s14] =	ssyncset.done $0x0  }
0x95: {  	s30 =	sadd.s32 $0x100, s25;
	[sflag:s14] =	ssyncadd.s32 $0xFFFFC000  }
0x96: {  	[tilespmem:s17], [sflag:$0x1] =	stream.indirect.gather [hbm4b:s4+s16], $0x80, s30, s16, $0xb8;
	[tilespmem:$0x1E800] =	vst v63  }
0x97: {  	_ =	swait.ge [sflag:s20], $0x4000  }
0x98: {  	[sflag:s20] =	ssyncset.done $0x0  }
0x99: {  	s31 =	sadd.s32 $0x1480, s25;
	[sflag:s20] =	ssyncadd.s32 $0xFFFFC000  }
0x9a: {  	[spmem:s2] =	stream.indirect.scatter.add.f32 [tilespmem:s18], [sflag:$0x3], $0x80, s31, s16, $0xb8;
	[tilespmem:$0x1E800] =	vst v63  }
0x9b: {  	_ =	swait.ge [sflag:s14], $0x4000  }
0x9c: {  	[sflag:s14] =	ssyncset.done $0x0  }
0x9d: {  	[sflag:s14] =	ssyncadd.s32 $0xFFFFC000  }
0x9e: {  	[tilespmem:s18], [sflag:$0x2] =	stream.indirect.gather [hbm4b:s4+s16], $0x80, s21, s16, $0xb8;
	[tilespmem:$0x1E800] =	vst v63  }
0x9f: {  	_ =	swait.ge [sflag:s19], $0x4000  }
0xa0: {  	[sflag:s19] =	ssyncset.done $0x0  }
0xa1: {  	[sflag:s19] =	ssyncadd.s32 $0xFFFFC000  }
0xa2: {  	[spmem:s2] =	stream.indirect.scatter.add.f32 [tilespmem:s17], [sflag:$0x3], $0x80, s22, s16, $0xb8;
	[tilespmem:$0x1E800] =	vst v63  }
0xa3: {  	_ =	swait.ge [sflag:s14], $0x4000  }
0xa4: {  	[sflag:s14] =	ssyncset.done $0x0  }
0xa5: {  	[sflag:s14] =	ssyncadd.s32 $0xFFFFC000  }
0xa6: {  	_ =	swait.ge [sflag:s20], $0x4000  }
0xa7: {  	[sflag:s20] =	ssyncset.done $0x0  }
0xa8: {  	[sflag:s20] =	ssyncadd.s32 $0xFFFFC000  }
0xa9: {  	[spmem:s2] =	stream.indirect.scatter.add.f32 [tilespmem:s18], [sflag:$0x3], $0x80, s23, s16, $0xb8;
	[tilespmem:$0x1E800] =	vst v63  }
0xaa: {  	_ =	swait.ge [sflag:s14], $0x4000  }
0xab: {  	s24 =	sadd.s32 $0x1, s24;
	[sflag:s14] =	ssyncset.done $0x0  }
0xac: {  	p0 =	sne.s32 s24, s12;
	[sflag:s14] =	ssyncadd.s32 $0xFFFFC000  }
.Ltmp2:
0xad: {  	[bflag:$0x0] =	sbarrier.arrive $0xFFFF;
	(pc) =	sbr.rel @p0 .LBB2_1-.Ltmp2, $4  }
0xae: {  	[hbm:s11], [sflag:s6] =	dma.local [spmem:s13], $0x2800  }
0xaf: {  	_ =	swait.ge [sflag:s14], $0x2800  }
0xb0: {  	[sflag:s14] =	ssyncset.done $0x0  }
0xb1: {  	[sflag:s14] =	ssyncadd.s32 $0xFFFFD800  }
0xb2: {  	_ =	sfence.sel $0x180000  }
0xb3: {  	[bflag:$0x0] =	sbarrier.arrive $0xFFFF  }
0xb4: {  	p0 =	sne.s32 s1, $0x0;
	_ =	strace $0x9000004D  }
0xb5: {  	s0 =	sadd.s32 @!p0 $0x100000, s0;
	[bflag:$0x2] =	sbarrier.arrive $0xFFFF  }
0xb6: {  	[sflag:s0] =	ssyncadd.tile.s32 @!p0 $0x1;
	_ =	shalt  }
.Lfunc_end2:
_tile_overlayer_lowered:
.L_overlay_start_2:
0xb7: {  	(tag) =	ssettag $0x2  }
0xb8: {  	s0 =	rddreg [dreg:$0x0];
	s2 =	stileid.u32  }
0xb9: {  	s1 =	rddreg [dreg:$0x1];
	p0 =	sne.s32 s2, $0x0  }
0xba: {  	s3 =	rddreg [dreg:$0x2];
	[bflag:$0x3] =	sbarrier.arrive $0xFFFF;
	s2 =	simm.s32 @!p0 $0x1C03  }
0xbb: {  	[timem:s3], [sflag:s2] =	dma.local @!p0 [hbm:s0], s1  }
0xbc: {  	s0 =	simm.s32 @!p0 $0x3  }
0xbd: {  	_ =	swait.ge @!p0 [sflag:s0], s1  }
0xbe: {  	s1 =	ssub.s32 @!p0 $0x0, s1;
	[sflag:s0] =	ssyncset.done @!p0 $0x0  }
0xbf: {  	[sflag:s0] =	ssyncadd.s32 @!p0 s1  }
0xc0: {  	[bflag:$0x3] =	sbarrier.arrive $0xFFFF  }
0xc1: {  	_ =	shalt  }

// kernel: kernel.8.cloned.1.call-start
scs
__scs_entry_jumppad:
0x0: {  	(pc) =	sbr.rel $0x88, $3  }
0x1: {  	(tag) =	ssettag $0x0;
	lr =	simm.s32 $0x1  }
0x2: {  	[smem:$0x3F95] =	sst lr;
	_ =	strace $0xD0000000  }
0x3: {  	_ = 	snop  }
0x4: {  	_ = 	snop  }
0x5: {  	_ = 	snop  }
0x6: {  	_ = 	snop  }
0x7: {  	_ = 	snop  }
__scs_overlays_trampoline_lowered:
0x8: {  	[smem:$0x3FA4] =	sst s0  }
0x9: {  	[smem:$0x3FA5] =	sst s1  }
0xa: {  	[smem:$0x3FA6] =	sst s2  }
0xb: {  	[smem:$0x3FA7] =	sst s3  }
0xc: {  	[smem:$0x3FA8] =	sst s4  }
0xd: {  	[smem:$0x3FA9] =	sst s5  }
0xe: {  	[smem:$0x3FAA] =	sst s6  }
0xf: {  	[smem:$0x3FAB] =	sst s7  }
0x10: {  	[smem:$0x3FAC] =	sst s8  }
0x11: {  	[smem:$0x3FAD] =	sst s9;
	s0 =	simm.s32 @!p0 $0x0  }
0x12: {  	s1 =	sld [smem:$0x3F93];
	s0 =	simm.s32 @p0 $0x1  }
0x13: {  	[smem:$0x3FAE] =	sst s0;
	s0 =	simm.s32 @!p1 $0x0  }
0x14: {  	s2 =	sld [smem:$0x3F92];
	s0 =	simm.s32 @p1 $0x1  }
0x15: {  	[smem:$0x3FAF] =	sst s0;
	s0 =	simm.s32 @!p2 $0x0  }
0x16: {  	s3 =	sld [smem:$0x3FDB];
	s0 =	simm.s32 @p2 $0x1  }
0x17: {  	s4 =	simm.s32 $0x1BF5;
	[smem:$0x3FB1] =	sst s0  }
0x18: {  	s0 =	sld [smem:$0x3F94];
	_ =	swait.ge [sflag:s4], $0x0  }
0x19: {  	s7 =	sld [smem:$0x3F95]  }
0x1a: {  	s8 =	sadd.s32 $0xFFFFE003, lr  }
0x1b: {  	s9 =	sadd.s32 $0xFFFFFEF7, lr;
	s5 =	simm.s32 $0xFFFFFFFF;
	p2 =	slt.u32 s8, $0xFFFFF086  }
0x1c: {  	p1 =	slt.u32 s9, $0xF7A;
	s5 =	simm.s32 @!p2 $0x0  }
0x1d: {  	s5 =	simm.s32 @p1 $0x1;
	p0 =	seq.s32 s7, s2  }
0x1e: {  	s7 =	smul.u32 @!p0 $0xF7A, s2;
	p2 =	seq.s32 @!p0 s5, $0x0  }
0x1f: {  	s9 =	smul.u32 $0xF7A, s1;
	s8 =	simm.s32 @!p0 $0x1BF5;
	p2 =	por !p2, p0  }
0x20: {  	[sflag:s8] =	ssyncset.s32 @!p0 $0xFFFFF086;
	s6 =	sadd.s32 @!p0 s3, s7;
	s7 =	simm.s32 @!p0 $0x108  }
0x21: {  	s3 =	sadd.s32 s3, s9;
	s6 =	sadd.s32 @!p0 $0x88, s6;
	s7 =	simm.s32 @p2 $0x1082  }
0x22: {  	[simem:s7], [sflag:s8] =	dma.local @!p0 [hbm:s6], $0xF7A  }
0x23: {  	s9 =	sor.u32 $0xD0000000, s2;
	s6 =	simm.s32 $0x108;
	_ =	swait.ge @!p0 [sflag:s8], $0x0  }
0x24: {  	s3 =	sadd.s32 $0x88, s3;
	s6 =	simm.s32 @!p1 $0x1082;
	[sflag:s4] =	ssyncset.s32 $0xFFFFF086  }
0x25: {  	[simem:s6], [sflag:s4] =	dma.local [hbm:s3], $0xF7A  }
0x26: {  	[smem:$0x3F95] =	sst s1;
	(tag) =	ssettag s2;
	_ =	strace s9  }
0x27: {  	s1 =	sld [smem:$0x3FA5]  }
0x28: {  	s2 =	sld [smem:$0x3FA6]  }
0x29: {  	s4 =	sld [smem:$0x3FA8]  }
0x2a: {  	p0 =	seq.s32 s5, $0x0;
	s5 =	sld [smem:$0x3FA9]  }
0x2b: {  	s6 =	sld [smem:$0x3FAA]  }
0x2c: {  	s7 =	sld [smem:$0x3FAB]  }
0x2d: {  	s3 =	simm.s32 $0x108;
	s8 =	sld [smem:$0x3FAC]  }
0x2e: {  	s3 =	simm.s32 @!p0 $0x1082;
	s9 =	sld [smem:$0x3FAD]  }
0x2f: {  	lr =	sadd.s32 s0, s3;
	s0 =	sld [smem:$0x3FA4]  }
0x30: {  	s3 =	sld [smem:$0x3FA7]  }
0x31: {  	[smem:$0x3FB0] =	sst s10  }
0x32: {  	s10 =	sld [smem:$0x3FAE];
	_ =	sdelay $0x3  }
0x33: {  	p0 =	seq.s32 s10, $0x1;
	s10 =	sld [smem:$0x3FB0];
	_ =	sdelay $0x3  }
0x34: {  	[smem:$0x3FB0] =	sst s10  }
0x35: {  	s10 =	sld [smem:$0x3FAF];
	_ =	sdelay $0x3  }
0x36: {  	p1 =	seq.s32 s10, $0x1;
	s10 =	sld [smem:$0x3FB0];
	_ =	sdelay $0x3  }
0x37: {  	[smem:$0x3FB0] =	sst s10  }
0x38: {  	s10 =	sld [smem:$0x3FB1]  }
0x39: {  	_ = 	snop;
	(pc) =	sbr.ind lr, $3  }
0x3a: {  	_ = 	snop  }
0x3b: {  	_ = 	snop  }
0x3c: {  	p2 =	seq.s32 s10, $0x1;
	s10 =	sld [smem:$0x3FB0]  }
0x3d: {  	_ =	shalt  }
0x3e: {  	_ =	shalt  }
0x3f: {  	_ =	shalt  }
0x40: {  	_ =	shalt  }
0x41: {  	_ =	shalt  }
0x42: {  	_ =	shalt  }
0x43: {  	_ =	shalt  }
0x44: {  	_ =	shalt  }
0x45: {  	_ =	shalt  }
0x46: {  	_ =	shalt  }
0x47: {  	_ =	shalt  }
0x48: {  	_ =	shalt  }
0x49: {  	_ =	shalt  }
0x4a: {  	_ =	shalt  }
0x4b: {  	_ =	shalt  }
0x4c: {  	_ =	shalt  }
0x4d: {  	_ =	shalt  }
0x4e: {  	_ =	shalt  }
0x4f: {  	_ =	shalt  }
0x50: {  	_ =	shalt  }
0x51: {  	_ =	shalt  }
0x52: {  	_ =	shalt  }
0x53: {  	_ =	shalt  }
0x54: {  	_ =	shalt  }
0x55: {  	_ =	shalt  }
0x56: {  	_ =	shalt  }
0x57: {  	_ =	shalt  }
0x58: {  	_ =	shalt  }
0x59: {  	_ =	shalt  }
0x5a: {  	_ =	shalt  }
0x5b: {  	_ =	shalt  }
0x5c: {  	_ =	shalt  }
0x5d: {  	_ =	shalt  }
0x5e: {  	_ =	shalt  }
0x5f: {  	_ =	shalt  }
0x60: {  	_ =	shalt  }
0x61: {  	_ =	shalt  }
0x62: {  	_ =	shalt  }
0x63: {  	_ =	shalt  }
0x64: {  	_ =	shalt  }
0x65: {  	_ =	shalt  }
0x66: {  	_ =	shalt  }
0x67: {  	_ =	shalt  }
0x68: {  	_ =	shalt  }
0x69: {  	_ =	shalt  }
0x6a: {  	_ =	shalt  }
0x6b: {  	_ =	shalt  }
0x6c: {  	_ =	shalt  }
0x6d: {  	_ =	shalt  }
0x6e: {  	_ =	shalt  }
0x6f: {  	_ =	shalt  }
0x70: {  	_ =	shalt  }
0x71: {  	_ =	shalt  }
0x72: {  	_ =	shalt  }
0x73: {  	_ =	shalt  }
0x74: {  	_ =	shalt  }
0x75: {  	_ =	shalt  }
0x76: {  	_ =	shalt  }
0x77: {  	_ =	shalt  }
0x78: {  	_ =	shalt  }
0x79: {  	_ =	shalt  }
0x7a: {  	_ =	shalt  }
0x7b: {  	_ =	shalt  }
0x7c: {  	_ =	shalt  }
0x7d: {  	_ =	shalt  }
0x7e: {  	_ =	shalt  }
0x7f: {  	_ =	shalt  }
0x80: {  	_ =	shalt  }
0x81: {  	_ =	shalt  }
0x82: {  	_ =	shalt  }
0x83: {  	_ =	shalt  }
0x84: {  	_ =	shalt  }
0x85: {  	_ =	shalt  }
0x86: {  	_ =	shalt  }
0x87: {  	_ =	shalt  }
.Lfunc_end0:
.L_simem_size_0:
called_computation_lowered:
.L_overlay_start_0:
0x88: {  	s2 =	sld [smem:$0x3FD9]  }
0x89: {  	s3 =	sld [smem:$0x3FFE];
	_ =	sdelay $0x1  }
0x8a: {  	s1 =	srdreg.scid  }
0x8b: {  	s0 =	sand.u32 $0x1, s1  }
0x8c: {  	s16 =	sshll.u32 s0, $0xA;
	s2 =	sadd.s32 s3, s2  }
0x8d: {  	s2 =	sadd.s32 s2, s16  }
0x8e: {  	[smem:$0x3FBC] =	sst s2  }
0x8f: {  	_ = 	snop  }
0x90: {  	(tm) =	ssettm $0x1  }
0x91: {  	s17 =	sld [smem:$0x3FFB];
	_ =	sdelay $0x3  }
0x92: {  	_ =	strace s17  }
0x93: {  	s2 =	sld [smem:$0x3FFC];
	_ =	sdelay $0x3  }
0x94: {  	_ =	strace s2  }
0x95: {  	s2 =	sld [smem:$0x3FFD];
	_ =	sdelay $0x3  }
0x96: {  	_ =	strace s2  }
0x97: {  	_ =	strace $0x8FFFFFFF  }
0x98: {  	s18 =	sld [smem:$0x3FDB];
	_ =	sdelay $0x1  }
0x99: {  	s19 =	simm.s32 $_scs_section_size  }
0x9a: {  	s4 =	simm.s32 $_size__tile_overlayer_lowered;
	s5 =	simm.s32 $_tile_overlayer_lowered  }
0x9b: {  	s22 =	simm.s32 $0x1BFF;
	s21 =	sshll.u32 s5, $0x1;
	s2 =	sadd.s32 s19, s18  }
0x9c: {  	s6 =	simm.s32 $0x0;
	s20 =	sshll.u32 s4, $0x1;
	s4 =	sadd.s32 s21, s2  }
0x9d: {  	[timem:s6], [sflag:s22] =	dma.local [hbm:s4], s20  }
0x9e: {  	_ =	swait.ge [sflag:s22], s20  }
0x9f: {  	s3 =	ssub.s32 $0x0, s20;
	[sflag:s22] =	ssyncset.done $0x0  }
0xa0: {  	[sflag:s22] =	ssyncadd.s32 s3;
	_ =	sdelay $0x1  }
0xa1: {  	s23 =	simm.s32 $0x1B8B  }
0xa2: {  	_ =	swait.ge [sflag:s23], $0x1  }
0xa3: {  	[sflag:s23] =	ssyncset.done $0x0  }
0xa4: {  	s25 =	simm.s32 $0x1B8E;
	s24 =	sld [smem:$0x3FFE];
	[sflag:s23] =	ssyncadd.s32 $0xFFFFFFFF  }
0xa5: {  	s26 =	simm.s32 $execute0_lowered;
	[smem:$0x3FD2] =	sst s25  }
0xa6: {  	s4 =	sshll.u32 s26, $0x1;
	_ =	strace $0x80000046;
	[dreg:$0x1] =	wrdreg $0xFFFFFFFF  }
0xa7: {  	s28 =	simm.s32 $_size_execute0_lowered;
	s2 =	sadd.s32 s2, s4;
	[dreg:$0x0] =	wrdreg $0x0  }
0xa8: {  	s4 =	sshll.u32 s28, $0x1;
	[dreg:$0x2] =	wrdreg s2  }
0xa9: {  	[dreg:$0x3] =	wrdreg s4  }
0xaa: {  	[dreg:$0x4] =	wrdreg $0xC0  }
0xab: {  	_ =	task [dreg:s6], $0x5FFFF  }
0xac: {  	[dreg:$0x1] =	wrdreg $0xFFFFFFFF  }
0xad: {  	[dreg:$0x0] =	wrdreg $0x60  }
0xae: {  	[dreg:$0x2] =	wrdreg s24  }
0xaf: {  	[dreg:$0x3] =	wrdreg $0x68000  }
0xb0: {  	[dreg:$0x4] =	wrdreg $0x9  }
0xb1: {  	_ =	task.clear_ibuf [dreg:s6], $0x5FFFF;
	_ =	strace $0x90000046  }
0xb2: {  	s29 =	simm.s32 $0x9;
	_ =	strace $0x80000048  }
0xb3: {  	_ =	swait.ge [sflag:s29], $0x1  }
0xb4: {  	[sflag:s29] =	ssyncadd.s32 $0xFFFFFFFF  }
0xb5: {  	_ =	strace $0x90000048  }
0xb6: {  	_ =	sfence  }
0xb7: {  	s30 =	sld [smem:$0x0];
	_ =	sdelay $0x2  }
0xb8: {  	s31 =	sshll.u32 s1, $0xD;
	s1 =	sshrl.u32 s1, $0x2  }
0xb9: {  	s3 =	sand.u32 $0x4000, s31;
	s1 =	sadd.s32 s1, s30  }
0xba: {  	s0 =	sor.u32 s3, s0;
	s1 =	sshll.u32 s1, $0x11  }
0xbb: {  	s0 =	sor.u32 s1, s0  }
0xbc: {  	s0 =	sadd.s32 $0x8F2B, s0  }
0xbd: {  	[sflag:s0] =	ssyncadd.remote.s32 $0x1  }
0xbe: {  	_ =	sfence.sel $0xFFFF  }
0xbf: {  	[dreg:$0x0] =	wrdreg $0xFFFFFFFF;
	(pc) =	sbr.abs _section_cstart, $3  }
0xc0: {  	[dreg:$0x1] =	wrdreg $0xFFFFFFFF  }
0xc1: {  	_ =	task.clear_ibuf [dreg:s6], $0x2FFFF;
	_ =	strace $0x9FFFFFFF  }
0xc2: {  	(tm) =	ssettm $0x7FFFFFFF  }
0xc3: {  	_ =	shalt  }
tec
execute0_lowered:
.L_overlay_start_1:
0x0: {  	(tag) =	ssettag $0x1  }
0x1: {  	s1 =	srdreg.scid;
	s5 =	rddreg [dreg:$0x0]  }
0x2: {  	s0 =	stileid.u32;
	s2 =	rddreg [dreg:$0x1]  }
0x3: {  	s3 =	simm.s32 $0x0;
	s12 =	simm.s32 $0x2800;
	s7 =	smul.u32 $0x2800, s0  }
0x4: {  	s4 =	sand.u32 $0x1, s1;
	s26 =	sshll.u32 s0, $0x1;
	s9 =	smul.u32 $0x50000, s0  }
0x5: {  	[smem:$0x7FF] =	sst s3;
	s1 =	sor.u32 s4, s26;
	s8 =	smul.u32 $0x28000, s4  }
0x6: {  	s31 =	sshll.u32 s0, $0x6;
	s4 =	ssub.s32 $0x2, s4;
	s6 =	smul.u32 $0x500, s1  }
0x7: {  	s1 =	rddreg [dreg:$0x2];
	_ =	strace $0x80000047;
	s10 =	sadd.s32 s7, s5  }
0x8: {  	s28 =	sshrl.u32 s4, $0x1;
	s29 =	sshrl.u32 s9, $0x2;
	s7 =	sadd.s32 s7, s8  }
0x9: {  	s30 =	ssub.s32 s4, s28;
	s11 =	sadd.s32 s29, s2;
	s4 =	sadd.s32 $0xE000, s10  }
0xa: {  	s10 =	simm.s32 $0x1;
	s6 =	sadd.s32 s6, s5;
	s7 =	sadd.s32 s7, s5  }
0xb: {  	s5 =	sor.u32 $0x1C01, s31;
	s8 =	smax.u32 s30, $0x1;
	s9 =	sshrl.u32 s11, $0x3  }
0xc: {  	v0 =	vimm.f32 $1.000000000e+00;
	s11 =	simm.s32 $0x80;
	s6 =	sadd.s32 $0x4000, s6;
	s7 =	sadd.s32 $0x36000, s7  }
.LBB2_1:
0xd: {  	[spmem:s9], [sflag:s5] =	dma.local [hbm:s4], $0x2800  }
0xe: {  	_ =	swait.ge [sflag:s10], $0x2800  }
0xf: {  	[sflag:s10] =	ssyncset.done $0x0  }
0x10: {  	s13 =	simm.s32 $0x200;
	s14 =	simm.s32 $0x0;
	[sflag:s10] =	ssyncadd.s32 $0xFFFFD800  }
.LBB2_2:
0x11: {  	p0 =	sne.s32 s13, $0xFE00;
	[tilespmem:s14+$0x2800] =	vst v0;
	s14 =	smov.u32 s13;
	s13 =	sadd.s32 $0x200, s13  }
.Ltmp0:
0x12: {  	(pc) =	sbr.rel @p0 .LBB2_2-.Ltmp0, $2  }
0x13: {  	_ =	sdelay $0x2  }
0x14: {  	s14 =	sshra.s32 s14, $0x2  }
0x15: {  	[tilespmem:s14+$0x2800] =	vst v0;
	s13 =	simm.s32 $0x0  }
0x16: {  	[tilespmem:s13], [sflag:$0x1] =	stream.linear.gather [hbm4b:s6+s13], $0x2800, $0x38;
	[tilespmem:$0x9000] =	vst v63  }
0x17: {  	_ =	swait.ge [sflag:s10], $0x2800  }
0x18: {  	[sflag:s10] =	ssyncset.done $0x0  }
0x19: {  	[sflag:s10] =	ssyncadd.s32 $0xFFFFD800  }
0x1a: {  	s31 =	simm.s32 $0x0;
	[bflag:$0x0] =	sbarrier.arrive $0xFFFF  }
0x1b: {  	[spmem:s2] =	stream.indirect.scatter.add.f32 [tilespmem:s12], [sflag:$0x1], $0x10, s31, s11, $0xb8;
	[tilespmem:$0x9000] =	vst v63  }
0x1c: {  	_ =	swait.ge [sflag:s10], $0x800  }
0x1d: {  	s13 =	simm.s32 $0x200;
	[sflag:s10] =	ssyncset.done $0x0  }
.LBB2_4:
0x1e: {  	s14 =	sshra.s32 s13, $0x2;
	[sflag:s10] =	ssyncadd.s32 $0xFFFFF800;
	p0 =	sne.s32 s13, $0x9E00  }
0x1f: {  	[spmem:s2] =	stream.indirect.scatter.add.f32 [tilespmem:s12], [sflag:$0x1], $0x10, s14, s11, $0xb8;
	[tilespmem:$0x9000] =	vst v63  }
.Ltmp1:
0x20: {  	_ = 	snop;
	(pc) =	sbr.rel @p0 .LBB2_4-.Ltmp1, $4  }
0x21: {  	_ = 	snop  }
0x22: {  	s13 =	sadd.s32 $0x200, s13  }
0x23: {  	_ =	swait.ge [sflag:s10], $0x800  }
0x24: {  	[sflag:s10] =	ssyncset.done $0x0  }
0x25: {  	s3 =	sadd.s32 $0x1, s3  }
0x26: {  	[sflag:s10] =	ssyncadd.s32 $0xFFFFF800;
	p0 =	sne.s32 s3, s8  }
.Ltmp2:
0x27: {  	[bflag:$0x0] =	sbarrier.arrive $0xFFFF;
	(pc) =	sbr.rel @p0 .LBB2_1-.Ltmp2, $4  }
0x28: {  	[hbm:s7], [sflag:s5] =	dma.local [spmem:s9], $0x2800  }
0x29: {  	_ =	swait.ge [sflag:s10], $0x2800  }
0x2a: {  	[sflag:s10] =	ssyncset.done $0x0  }
0x2b: {  	[sflag:s10] =	ssyncadd.s32 $0xFFFFD800  }
0x2c: {  	_ =	sfence.sel $0x180000  }
0x2d: {  	[bflag:$0x0] =	sbarrier.arrive $0xFFFF  }
0x2e: {  	p0 =	sne.s32 s0, $0x0;
	_ =	strace $0x90000047  }
0x2f: {  	s0 =	sadd.s32 @!p0 $0x100000, s1;
	[bflag:$0x2] =	sbarrier.arrive $0xFFFF  }
0x30: {  	[sflag:s0] =	ssyncadd.tile.s32 @!p0 $0x1;
	_ =	shalt  }
.Lfunc_end2:
_tile_overlayer_lowered:
.L_overlay_start_2:
0x31: {  	(tag) =	ssettag $0x2  }
0x32: {  	s0 =	rddreg [dreg:$0x0];
	s2 =	stileid.u32  }
0x33: {  	s1 =	rddreg [dreg:$0x1];
	p0 =	sne.s32 s2, $0x0  }
0x34: {  	s3 =	rddreg [dreg:$0x2];
	[bflag:$0x3] =	sbarrier.arrive $0xFFFF;
	s2 =	simm.s32 @!p0 $0x1C01  }
0x35: {  	[timem:s3], [sflag:s2] =	dma.local @!p0 [hbm:s0], s1  }
0x36: {  	s0 =	simm.s32 @!p0 $0x1  }
0x37: {  	_ =	swait.ge @!p0 [sflag:s0], s1  }
0x38: {  	s1 =	ssub.s32 @!p0 $0x0, s1;
	[sflag:s0] =	ssyncset.done @!p0 $0x0  }
0x39: {  	[sflag:s0] =	ssyncadd.s32 @!p0 s1  }
0x3a: {  	[bflag:$0x3] =	sbarrier.arrive $0xFFFF  }
0x3b: {  	_ =	shalt  }

</sc_bundles>
